<compile_context>
chip_gen: v7x
topology: tpu7x:2x2x1
jax: 0.10.2.dev20260603
libtpu: 0.0.44.dev20260713+nightly
codegen_flags: <defaults>
</compile_context>

<pallas_src>
import functools

import jax
import jax.numpy as jnp
from jax import lax
from jax.experimental import pallas as pl
from jax.experimental.pallas import tpu as pltpu
from jax.experimental.pallas import tpu_sc as plsc

_N = 10000
_D = 32
_V = 128
_H = 128
_G3 = 3 * _H

_NC = 5
_NCHUNK = _N // _NC

_NW = 32
_CROWS = _NCHUNK * _D
_PER_W = _CROWS // _NW
_CH = 80


_NCH = _PER_W // _CH


def _sc_gather(matrix, idx_flat):
    mesh = plsc.VectorSubcoreMesh(core_axis_name="c", subcore_axis_name="s")

    @functools.partial(
        pl.kernel,
        mesh=mesh,
        out_type=jax.ShapeDtypeStruct((_CROWS, _V), jnp.float32),
        scratch_types=[
            pltpu.VMEM((_CH,), jnp.int32),
            pltpu.VMEM((_CH, _V), jnp.float32),
            pltpu.SemaphoreType.DMA,
        ],
    )
    def gather_k(mat_hbm, idx_hbm, out_hbm, idx_v, rows_v, sem):
        wid = lax.axis_index("s") * 2 + lax.axis_index("c")
        base = wid * _PER_W

        def body(i, carry):
            off = base + i * _CH
            pltpu.sync_copy(idx_hbm.at[pl.ds(off, _CH)], idx_v)
            pltpu.async_copy(mat_hbm.at[idx_v], rows_v, sem).wait()
            pltpu.sync_copy(rows_v, out_hbm.at[pl.ds(off, _CH)])
            return carry

        lax.fori_loop(0, _NCH, body, 0)

    return gather_k(matrix, idx_flat)


_B = 200
_BD = _B * _D


def _tc_body(x_ref, cf_ref, wv_ref, wc4_ref, whh_ref, bhhn_ref,
             wot_ref, bo_ref, out_ref):
    x = x_ref[...]
    gi = jnp.dot(x, wv_ref[...], preferred_element_type=jnp.float32)
    gi = gi + jnp.dot(cf_ref[...], wc4_ref[...],
                      preferred_element_type=jnp.float32)

    gi3 = gi.reshape(_B, _D, _G3)
    i_r = gi3[:, :, :_H]
    i_z = gi3[:, :, _H:2 * _H]
    i_n = gi3[:, :, 2 * _H:]

    bhhn = bhhn_ref[...]
    bh_n = bhhn[:, 2 * _H:]

    r1 = 0.5 + 0.5 * jnp.tanh(0.5 * i_r)
    z1 = 0.5 + 0.5 * jnp.tanh(0.5 * i_z)
    n1 = jnp.tanh(i_n + r1 * bh_n)
    hid = jnp.sum(n1 * (1.0 - z1), axis=1) * (1.0 / _D)

    gh = jnp.dot(hid, whh_ref[...], preferred_element_type=jnp.float32) + bhhn
    gh3 = lax.broadcast_in_dim(gh, (_B, _D, _G3), (0, 2))
    r2 = 0.5 + 0.5 * jnp.tanh(0.5 * (i_r + gh3[:, :, :_H]))
    z2 = 0.5 + 0.5 * jnp.tanh(0.5 * (i_z + gh3[:, :, _H:2 * _H]))
    n2 = jnp.tanh(i_n + r2 * gh3[:, :, 2 * _H:])
    hid3 = lax.broadcast_in_dim(hid, (_B, _D, _H), (0, 2))
    hid2 = jnp.sum(n2 + z2 * (hid3 - n2), axis=1) * (1.0 / _D)

    out_ref[...] = (jnp.dot(hid2, wot_ref[...], preferred_element_type=jnp.float32)
                    + bo_ref[...])


def _tc_call(gathered, cf, wv, wc4, whh, bhhn, wot, bo, interpret=False):
    grid = _NCHUNK // _B
    full = lambda r, c: pl.BlockSpec((r, c), lambda i: (0, 0))
    return pl.pallas_call(
        _tc_body,
        grid=(grid,),
        in_specs=[
            pl.BlockSpec((_BD, _V), lambda i: (i, 0)),
            pl.BlockSpec((_BD, 4), lambda i: (i, 0)),
            full(_V, _G3),
            full(4, _G3),
            full(_H, _G3),
            full(1, _G3),
            full(_H, _H),
            full(1, _H),
        ],
        out_specs=pl.BlockSpec((_B, _H), lambda i: (i, 0)),
        out_shape=jax.ShapeDtypeStruct((_NCHUNK, _H), jnp.float32),
        compiler_params=pltpu.CompilerParams(
            dimension_semantics=("parallel",)),
        interpret=interpret,
    )(gathered, cf, wv, wc4, whh, bhhn, wot, bo)


def kernel(indices, counts, matrix, W_ih, W_hh, b_ih, b_hh, W_out, b_out):
    idx_flat = indices.reshape(_N * _D)
    c = jnp.log2(counts + 1.0)
    cn = c / jnp.sum(c, axis=1, keepdims=True)
    cf = jnp.stack([c, cn, jnp.ones_like(c), jnp.zeros_like(c)],
                   axis=-1).reshape(_N * _D, 4)
    mask_rz = jnp.concatenate([jnp.ones(2 * _H, jnp.float32),
                               jnp.zeros(_H, jnp.float32)])
    bias_row = b_ih + b_hh * mask_rz
    wc4 = jnp.concatenate([W_ih[:, _V:].T, bias_row.reshape(1, _G3),
                           jnp.zeros((1, _G3), jnp.float32)], axis=0)
    wv = W_ih[:, :_V].T
    whh = W_hh.T
    bhhn = (b_hh * (1.0 - mask_rz)).reshape(1, _G3)
    wot = W_out.T
    bo = b_out.reshape(1, _H)

    outs = []
    for k in range(_NC):
        g = _sc_gather(matrix, lax.slice(idx_flat, (k * _CROWS,),
                                         ((k + 1) * _CROWS,)))
        cfk = lax.slice(cf, (k * _CROWS, 0), ((k + 1) * _CROWS, 4))
        outs.append(_tc_call(g, cfk, wv, wc4, whh, bhhn, wot, bo))
    return jnp.concatenate(outs, axis=0)

# --- scband reference (transcript-rebuilt; emitter-appended) ---
"""Pipeline reference for scband-gated-structural-embedder-72782515798137 (READ-ONLY COPY).

The authoritative reference and input builder live on the scoring server;
editing this copy changes nothing except your own understanding.
"""

import jax, jax.numpy as jnp
import numpy as np

N = 10000   # nodes in node_seq
D = 32      # structures per node (fixed-degree mapping)
V = 128     # vector_size
H = 128     # output_size
S = 100000  # structure vocabulary (rows of mapping matrix)
NUM_AGG = 2


def setup_inputs(seed: int = 0) -> dict:
    key = jax.random.key(seed)
    ks = jax.random.split(key, 10)
    indices = jax.random.randint(ks[0], (N, D), 0, S, dtype=jnp.int32)
    counts = jax.random.uniform(ks[1], (N, D), dtype=jnp.float32)
    matrix = jax.random.normal(ks[2], (S, V), dtype=jnp.float32) * 0.02
    s_ih = 1.0 / np.sqrt(V + 2)
    s_hh = 1.0 / np.sqrt(H)
    W_ih = jax.random.uniform(ks[3], (3 * H, V + 2), minval=-s_ih, maxval=s_ih, dtype=jnp.float32)
    W_hh = jax.random.uniform(ks[4], (3 * H, H), minval=-s_hh, maxval=s_hh, dtype=jnp.float32)
    b_ih = jax.random.uniform(ks[5], (3 * H,), minval=-s_hh, maxval=s_hh, dtype=jnp.float32)
    b_hh = jax.random.uniform(ks[6], (3 * H,), minval=-s_hh, maxval=s_hh, dtype=jnp.float32)
    W_out = jax.random.uniform(ks[7], (H, H), minval=-s_hh, maxval=s_hh, dtype=jnp.float32)
    b_out = jax.random.uniform(ks[8], (H,), minval=-s_hh, maxval=s_hh, dtype=jnp.float32)
    return {"indices": indices, "counts": counts, "matrix": matrix,
            "W_ih": W_ih, "W_hh": W_hh, "b_ih": b_ih, "b_hh": b_hh,
            "W_out": W_out, "b_out": b_out}


def _gru_cell(x, h, W_ih, W_hh, b_ih, b_hh):
    # PyTorch nn.GRUCell semantics
    gi = x @ W_ih.T + b_ih
    gh = h @ W_hh.T + b_hh
    i_r, i_z, i_n = jnp.split(gi, 3, axis=-1)
    h_r, h_z, h_n = jnp.split(gh, 3, axis=-1)
    r = jax.nn.sigmoid(i_r + h_r)
    z = jax.nn.sigmoid(i_z + h_z)
    n = jnp.tanh(i_n + r * h_n)
    return n + z * (h - n)


def reference(indices, counts, matrix, W_ih, W_hh, b_ih, b_hh, W_out, b_out):
    # counts_transform == 'log': log2(c + 1)
    c = jnp.log2(counts + 1.0)
    c_sum = jnp.sum(c, axis=1, keepdims=True)
    # gather structure vectors: matrix[indices] -> [N, D, V]
    x = jnp.take(matrix, indices, axis=0)
    # count_function == 'concat_both': concat raw counts and normalized counts
    inp = jnp.concatenate([x, c[..., None], (c / c_sum)[..., None]], axis=-1)  # [N, D, V+2]
    hidden = jnp.zeros((indices.shape[0], W_hh.shape[1]), dtype=jnp.float32)   # [N, H]
    for _ in range(max(1, NUM_AGG)):
        h_rep = jnp.broadcast_to(hidden[:, None, :], inp.shape[:2] + (hidden.shape[-1],))
        new_h = _gru_cell(inp, h_rep, W_ih, W_hh, b_ih, b_hh)
        # aggregation_function == 'mean' over the D structures of each node
        hidden = jnp.mean(new_h, axis=1)
    # transform_output: Linear(H, H)
    out = hidden @ W_out.T + b_out
    return out

if __name__ == "__main__":
    import jax
    _d = setup_inputs()
    print(jax.jit(kernel)(*tuple(_d.values())))

</pallas_src>

<mosaic_0001>
#map = affine_map<(d0, d1) -> (0, 0)>
#map1 = affine_map<(d0, d1) -> (0)>
module attributes {stable_mosaic.version = 14 : i64} {
  func.func @gather_k(%arg0: i32, %arg1: i32, %arg2: memref<100000x128xf32, #tpu.memory_space<hbm>>, %arg3: memref<64000xi32, #tpu.memory_space<hbm>>, %arg4: memref<64000x128xf32, #tpu.memory_space<hbm>>, %arg5: memref<80xi32, #tpu.memory_space<vmem>>, %arg6: memref<80x128xf32, #tpu.memory_space<vmem>>, %arg7: memref<!tpu.dma_semaphore, #tpu.memory_space<semaphore_mem>>) attributes {dimension_semantics = [#tpu.dimension_semantics<core_parallel>, #tpu.dimension_semantics<subcore_parallel>], iteration_bounds = array<i64: 2, 16>, scalar_prefetch = 0 : i64, scratch_operands = 3 : i64, tpu.core_type = #tpu.core_type<sc_vector_subcore>, window_params = [{transform_indices = #map}, {transform_indices = #map1}, {transform_indices = #map}]} {
    %mul3A = arith.constant 2 : i32
    %mul3A_0 = arith.muli %arg1, %mul3A : i32
    %add3A = arith.addi %mul3A_0, %arg0 : i32
    %mul3A_1 = arith.constant 2000 : i32
    %mul3A_2 = arith.muli %add3A, %mul3A_1 : i32
    %scan3A = arith.constant 0 : i32
    %scan3A_3 = arith.constant 0 : i32
    %scan3A_4 = arith.constant 25 : i32
    %scan3A_5 = arith.addi %scan3A_3, %scan3A_4 : i32
    %scan3A_6 = arith.constant 1 : i32
    scf.for %scan3A_8 = %scan3A_3 to %scan3A_5 step %scan3A_6  : i32 {
      %mul3A_9 = arith.constant 80 : i32
      %mul3A_10 = arith.muli %scan3A_8, %mul3A_9 : i32
      %add3A_11 = arith.addi %mul3A_2, %mul3A_10 : i32
      "tpu.region"() ({
        %run_scoped3A = tpu.sem_alloc : memref<!tpu.dma_semaphore, #tpu.memory_space<semaphore_mem>>
        %dma_start3A_16 = tpu.memref_slice %arg3[%add3A_11] : memref<64000xi32, #tpu.memory_space<hbm>> -> memref<80xi32, #tpu.memory_space<hbm>>
        %dma_start3A_17 = tpu.memref_slice %arg3[%add3A_11] : memref<64000xi32, #tpu.memory_space<hbm>> -> memref<80xi32, #tpu.memory_space<hbm>>
        tpu.enqueue_dma source(%dma_start3A_17 : memref<80xi32, #tpu.memory_space<hbm>>) target(%arg5 : memref<80xi32, #tpu.memory_space<vmem>>) target_semaphore(%run_scoped3A : memref<!tpu.dma_semaphore, #tpu.memory_space<semaphore_mem>>)
        %dma_wait3A_18 = tpu.memref_slice %arg3[%add3A_11] : memref<64000xi32, #tpu.memory_space<hbm>> -> memref<80xi32, #tpu.memory_space<hbm>>
        %dma_wait3A_19 = tpu.memref_slice %arg3[%add3A_11] : memref<64000xi32, #tpu.memory_space<hbm>> -> memref<80xi32, #tpu.memory_space<hbm>>
        tpu.wait_dma2 semaphore(%run_scoped3A : memref<!tpu.dma_semaphore, #tpu.memory_space<semaphore_mem>>) src(%dma_wait3A_19 : memref<80xi32, #tpu.memory_space<hbm>>) dst(%arg5 : memref<80xi32, #tpu.memory_space<vmem>>)
        tpu.yield
      }) : () -> ()
      %dma_start3A = arith.constant 0 : i32
      %dma_start3A_12 = arith.constant 0 : i32
      %dma_start3A_13 = tpu.memref_slice %arg2[%dma_start3A, %dma_start3A_12] : memref<100000x128xf32, #tpu.memory_space<hbm>> -> memref<100000x128xf32, #tpu.memory_space<hbm>>
      tpu.enqueue_indirect_dma source(%dma_start3A_13 : memref<100000x128xf32, #tpu.memory_space<hbm>>) target(%arg6 : memref<80x128xf32, #tpu.memory_space<vmem>>) offsets(%arg5 : memref<80xi32, #tpu.memory_space<vmem>>) semaphore(%arg7 : memref<!tpu.dma_semaphore, #tpu.memory_space<semaphore_mem>>)
      %dma_wait3A = arith.constant 0 : i32
      %dma_wait3A_14 = arith.constant 0 : i32
      %dma_wait3A_15 = tpu.memref_slice %arg2[%dma_wait3A, %dma_wait3A_14] : memref<100000x128xf32, #tpu.memory_space<hbm>> -> memref<100000x128xf32, #tpu.memory_space<hbm>>
      tpu.wait_indirect_dma semaphore(%arg7 : memref<!tpu.dma_semaphore, #tpu.memory_space<semaphore_mem>>) src(%dma_wait3A_15 : memref<100000x128xf32, #tpu.memory_space<hbm>>) dst(%arg6 : memref<80x128xf32, #tpu.memory_space<vmem>>)
      "tpu.region"() ({
        %run_scoped3A = tpu.sem_alloc : memref<!tpu.dma_semaphore, #tpu.memory_space<semaphore_mem>>
        %dma_start3A_16 = arith.constant 0 : i32
        %dma_start3A_17 = tpu.memref_slice %arg4[%add3A_11, %dma_start3A_16] : memref<64000x128xf32, #tpu.memory_space<hbm>> -> memref<80x128xf32, #tpu.memory_space<hbm>>
        %dma_start3A_18 = arith.constant 0 : i32
        %dma_start3A_19 = tpu.memref_slice %arg4[%add3A_11, %dma_start3A_18] : memref<64000x128xf32, #tpu.memory_space<hbm>> -> memref<80x128xf32, #tpu.memory_space<hbm>>
        tpu.enqueue_dma source(%arg6 : memref<80x128xf32, #tpu.memory_space<vmem>>) target(%dma_start3A_19 : memref<80x128xf32, #tpu.memory_space<hbm>>) target_semaphore(%run_scoped3A : memref<!tpu.dma_semaphore, #tpu.memory_space<semaphore_mem>>)
        %dma_wait3A_20 = arith.constant 0 : i32
        %dma_wait3A_21 = tpu.memref_slice %arg4[%add3A_11, %dma_wait3A_20] : memref<64000x128xf32, #tpu.memory_space<hbm>> -> memref<80x128xf32, #tpu.memory_space<hbm>>
        %dma_wait3A_22 = arith.constant 0 : i32
        %dma_wait3A_23 = tpu.memref_slice %arg4[%add3A_11, %dma_wait3A_22] : memref<64000x128xf32, #tpu.memory_space<hbm>> -> memref<80x128xf32, #tpu.memory_space<hbm>>
        tpu.wait_dma2 semaphore(%run_scoped3A : memref<!tpu.dma_semaphore, #tpu.memory_space<semaphore_mem>>) src(%arg6 : memref<80x128xf32, #tpu.memory_space<vmem>>) dst(%dma_wait3A_23 : memref<80x128xf32, #tpu.memory_space<hbm>>)
        tpu.yield
      }) : () -> ()
    }
    %scan3A_7 = arith.constant 25 : i32
    return
  }
}

#map = affine_map<(d0, d1) -> (0, 0)>
#map1 = affine_map<(d0, d1) -> (0)>
module attributes {stable_mosaic.version = 14 : i64} {
  func.func @gather_k(%arg0: i32, %arg1: i32, %arg2: memref<100000x128xf32, #tpu.memory_space<hbm>>, %arg3: memref<64000xi32, #tpu.memory_space<hbm>>, %arg4: memref<64000x128xf32, #tpu.memory_space<hbm>>, %arg5: memref<80xi32, #tpu.memory_space<vmem>>, %arg6: memref<80x128xf32, #tpu.memory_space<vmem>>, %arg7: memref<!tpu.dma_semaphore, #tpu.memory_space<semaphore_mem>>) attributes {dimension_semantics = [#tpu.dimension_semantics<core_parallel>, #tpu.dimension_semantics<subcore_parallel>], iteration_bounds = array<i64: 2, 16>, scalar_prefetch = 0 : i64, scratch_operands = 3 : i64, tpu.core_type = #tpu.core_type<sc_vector_subcore>, window_params = [{transform_indices = #map}, {transform_indices = #map1}, {transform_indices = #map}]} {
    %mul3A = arith.constant 2 : i32
    %mul3A_0 = arith.muli %arg1, %mul3A : i32
    %add3A = arith.addi %mul3A_0, %arg0 : i32
    %mul3A_1 = arith.constant 2000 : i32
    %mul3A_2 = arith.muli %add3A, %mul3A_1 : i32
    %scan3A = arith.constant 0 : i32
    %scan3A_3 = arith.constant 0 : i32
    %scan3A_4 = arith.constant 25 : i32
    %scan3A_5 = arith.addi %scan3A_3, %scan3A_4 : i32
    %scan3A_6 = arith.constant 1 : i32
    scf.for %scan3A_8 = %scan3A_3 to %scan3A_5 step %scan3A_6  : i32 {
      %mul3A_9 = arith.constant 80 : i32
      %mul3A_10 = arith.muli %scan3A_8, %mul3A_9 : i32
      %add3A_11 = arith.addi %mul3A_2, %mul3A_10 : i32
      "tpu.region"() ({
        %run_scoped3A = tpu.sem_alloc : memref<!tpu.dma_semaphore, #tpu.memory_space<semaphore_mem>>
        %dma_start3A_16 = tpu.memref_slice %arg3[%add3A_11] : memref<64000xi32, #tpu.memory_space<hbm>> -> memref<80xi32, #tpu.memory_space<hbm>>
        %dma_start3A_17 = tpu.memref_slice %arg3[%add3A_11] : memref<64000xi32, #tpu.memory_space<hbm>> -> memref<80xi32, #tpu.memory_space<hbm>>
        tpu.enqueue_dma source(%dma_start3A_17 : memref<80xi32, #tpu.memory_space<hbm>>) target(%arg5 : memref<80xi32, #tpu.memory_space<vmem>>) target_semaphore(%run_scoped3A : memref<!tpu.dma_semaphore, #tpu.memory_space<semaphore_mem>>)
        %dma_wait3A_18 = tpu.memref_slice %arg3[%add3A_11] : memref<64000xi32, #tpu.memory_space<hbm>> -> memref<80xi32, #tpu.memory_space<hbm>>
        %dma_wait3A_19 = tpu.memref_slice %arg3[%add3A_11] : memref<64000xi32, #tpu.memory_space<hbm>> -> memref<80xi32, #tpu.memory_space<hbm>>
        tpu.wait_dma2 semaphore(%run_scoped3A : memref<!tpu.dma_semaphore, #tpu.memory_space<semaphore_mem>>) src(%dma_wait3A_19 : memref<80xi32, #tpu.memory_space<hbm>>) dst(%arg5 : memref<80xi32, #tpu.memory_space<vmem>>)
        tpu.yield
      }) : () -> ()
      %dma_start3A = arith.constant 0 : i32
      %dma_start3A_12 = arith.constant 0 : i32
      %dma_start3A_13 = tpu.memref_slice %arg2[%dma_start3A, %dma_start3A_12] : memref<100000x128xf32, #tpu.memory_space<hbm>> -> memref<100000x128xf32, #tpu.memory_space<hbm>>
      tpu.enqueue_indirect_dma source(%dma_start3A_13 : memref<100000x128xf32, #tpu.memory_space<hbm>>) target(%arg6 : memref<80x128xf32, #tpu.memory_space<vmem>>) offsets(%arg5 : memref<80xi32, #tpu.memory_space<vmem>>) semaphore(%arg7 : memref<!tpu.dma_semaphore, #tpu.memory_space<semaphore_mem>>)
      %dma_wait3A = arith.constant 0 : i32
      %dma_wait3A_14 = arith.constant 0 : i32
      %dma_wait3A_15 = tpu.memref_slice %arg2[%dma_wait3A, %dma_wait3A_14] : memref<100000x128xf32, #tpu.memory_space<hbm>> -> memref<100000x128xf32, #tpu.memory_space<hbm>>
      tpu.wait_indirect_dma semaphore(%arg7 : memref<!tpu.dma_semaphore, #tpu.memory_space<semaphore_mem>>) src(%dma_wait3A_15 : memref<100000x128xf32, #tpu.memory_space<hbm>>) dst(%arg6 : memref<80x128xf32, #tpu.memory_space<vmem>>)
      "tpu.region"() ({
        %run_scoped3A = tpu.sem_alloc : memref<!tpu.dma_semaphore, #tpu.memory_space<semaphore_mem>>
        %dma_start3A_16 = arith.constant 0 : i32
        %dma_start3A_17 = tpu.memref_slice %arg4[%add3A_11, %dma_start3A_16] : memref<64000x128xf32, #tpu.memory_space<hbm>> -> memref<80x128xf32, #tpu.memory_space<hbm>>
        %dma_start3A_18 = arith.constant 0 : i32
        %dma_start3A_19 = tpu.memref_slice %arg4[%add3A_11, %dma_start3A_18] : memref<64000x128xf32, #tpu.memory_space<hbm>> -> memref<80x128xf32, #tpu.memory_space<hbm>>
        tpu.enqueue_dma source(%arg6 : memref<80x128xf32, #tpu.memory_space<vmem>>) target(%dma_start3A_19 : memref<80x128xf32, #tpu.memory_space<hbm>>) target_semaphore(%run_scoped3A : memref<!tpu.dma_semaphore, #tpu.memory_space<semaphore_mem>>)
        %dma_wait3A_20 = arith.constant 0 : i32
        %dma_wait3A_21 = tpu.memref_slice %arg4[%add3A_11, %dma_wait3A_20] : memref<64000x128xf32, #tpu.memory_space<hbm>> -> memref<80x128xf32, #tpu.memory_space<hbm>>
        %dma_wait3A_22 = arith.constant 0 : i32
        %dma_wait3A_23 = tpu.memref_slice %arg4[%add3A_11, %dma_wait3A_22] : memref<64000x128xf32, #tpu.memory_space<hbm>> -> memref<80x128xf32, #tpu.memory_space<hbm>>
        tpu.wait_dma2 semaphore(%run_scoped3A : memref<!tpu.dma_semaphore, #tpu.memory_space<semaphore_mem>>) src(%arg6 : memref<80x128xf32, #tpu.memory_space<vmem>>) dst(%dma_wait3A_23 : memref<80x128xf32, #tpu.memory_space<hbm>>)
        tpu.yield
      }) : () -> ()
    }
    %scan3A_7 = arith.constant 25 : i32
    return
  }
}

#map = affine_map<(d0, d1) -> (0, 0)>
#map1 = affine_map<(d0, d1) -> (0)>
module attributes {stable_mosaic.version = 14 : i64} {
  func.func @gather_k(%arg0: i32, %arg1: i32, %arg2: memref<100000x128xf32, #tpu.memory_space<hbm>>, %arg3: memref<64000xi32, #tpu.memory_space<hbm>>, %arg4: memref<64000x128xf32, #tpu.memory_space<hbm>>, %arg5: memref<80xi32, #tpu.memory_space<vmem>>, %arg6: memref<80x128xf32, #tpu.memory_space<vmem>>, %arg7: memref<!tpu.dma_semaphore, #tpu.memory_space<semaphore_mem>>) attributes {dimension_semantics = [#tpu.dimension_semantics<core_parallel>, #tpu.dimension_semantics<subcore_parallel>], iteration_bounds = array<i64: 2, 16>, scalar_prefetch = 0 : i64, scratch_operands = 3 : i64, tpu.core_type = #tpu.core_type<sc_vector_subcore>, window_params = [{transform_indices = #map}, {transform_indices = #map1}, {transform_indices = #map}]} {
    %mul3A = arith.constant 2 : i32
    %mul3A_0 = arith.muli %arg1, %mul3A : i32
    %add3A = arith.addi %mul3A_0, %arg0 : i32
    %mul3A_1 = arith.constant 2000 : i32
    %mul3A_2 = arith.muli %add3A, %mul3A_1 : i32
    %scan3A = arith.constant 0 : i32
    %scan3A_3 = arith.constant 0 : i32
    %scan3A_4 = arith.constant 25 : i32
    %scan3A_5 = arith.addi %scan3A_3, %scan3A_4 : i32
    %scan3A_6 = arith.constant 1 : i32
    scf.for %scan3A_8 = %scan3A_3 to %scan3A_5 step %scan3A_6  : i32 {
      %mul3A_9 = arith.constant 80 : i32
      %mul3A_10 = arith.muli %scan3A_8, %mul3A_9 : i32
      %add3A_11 = arith.addi %mul3A_2, %mul3A_10 : i32
      "tpu.region"() ({
        %run_scoped3A = tpu.sem_alloc : memref<!tpu.dma_semaphore, #tpu.memory_space<semaphore_mem>>
        %dma_start3A_16 = tpu.memref_slice %arg3[%add3A_11] : memref<64000xi32, #tpu.memory_space<hbm>> -> memref<80xi32, #tpu.memory_space<hbm>>
        %dma_start3A_17 = tpu.memref_slice %arg3[%add3A_11] : memref<64000xi32, #tpu.memory_space<hbm>> -> memref<80xi32, #tpu.memory_space<hbm>>
        tpu.enqueue_dma source(%dma_start3A_17 : memref<80xi32, #tpu.memory_space<hbm>>) target(%arg5 : memref<80xi32, #tpu.memory_space<vmem>>) target_semaphore(%run_scoped3A : memref<!tpu.dma_semaphore, #tpu.memory_space<semaphore_mem>>)
        %dma_wait3A_18 = tpu.memref_slice %arg3[%add3A_11] : memref<64000xi32, #tpu.memory_space<hbm>> -> memref<80xi32, #tpu.memory_space<hbm>>
        %dma_wait3A_19 = tpu.memref_slice %arg3[%add3A_11] : memref<64000xi32, #tpu.memory_space<hbm>> -> memref<80xi32, #tpu.memory_space<hbm>>
        tpu.wait_dma2 semaphore(%run_scoped3A : memref<!tpu.dma_semaphore, #tpu.memory_space<semaphore_mem>>) src(%dma_wait3A_19 : memref<80xi32, #tpu.memory_space<hbm>>) dst(%arg5 : memref<80xi32, #tpu.memory_space<vmem>>)
        tpu.yield
      }) : () -> ()
      %dma_start3A = arith.constant 0 : i32
      %dma_start3A_12 = arith.constant 0 : i32
      %dma_start3A_13 = tpu.memref_slice %arg2[%dma_start3A, %dma_start3A_12] : memref<100000x128xf32, #tpu.memory_space<hbm>> -> memref<100000x128xf32, #tpu.memory_space<hbm>>
      tpu.enqueue_indirect_dma source(%dma_start3A_13 : memref<100000x128xf32, #tpu.memory_space<hbm>>) target(%arg6 : memref<80x128xf32, #tpu.memory_space<vmem>>) offsets(%arg5 : memref<80xi32, #tpu.memory_space<vmem>>) semaphore(%arg7 : memref<!tpu.dma_semaphore, #tpu.memory_space<semaphore_mem>>)
      %dma_wait3A = arith.constant 0 : i32
      %dma_wait3A_14 = arith.constant 0 : i32
      %dma_wait3A_15 = tpu.memref_slice %arg2[%dma_wait3A, %dma_wait3A_14] : memref<100000x128xf32, #tpu.memory_space<hbm>> -> memref<100000x128xf32, #tpu.memory_space<hbm>>
      tpu.wait_indirect_dma semaphore(%arg7 : memref<!tpu.dma_semaphore, #tpu.memory_space<semaphore_mem>>) src(%dma_wait3A_15 : memref<100000x128xf32, #tpu.memory_space<hbm>>) dst(%arg6 : memref<80x128xf32, #tpu.memory_space<vmem>>)
      "tpu.region"() ({
        %run_scoped3A = tpu.sem_alloc : memref<!tpu.dma_semaphore, #tpu.memory_space<semaphore_mem>>
        %dma_start3A_16 = arith.constant 0 : i32
        %dma_start3A_17 = tpu.memref_slice %arg4[%add3A_11, %dma_start3A_16] : memref<64000x128xf32, #tpu.memory_space<hbm>> -> memref<80x128xf32, #tpu.memory_space<hbm>>
        %dma_start3A_18 = arith.constant 0 : i32
        %dma_start3A_19 = tpu.memref_slice %arg4[%add3A_11, %dma_start3A_18] : memref<64000x128xf32, #tpu.memory_space<hbm>> -> memref<80x128xf32, #tpu.memory_space<hbm>>
        tpu.enqueue_dma source(%arg6 : memref<80x128xf32, #tpu.memory_space<vmem>>) target(%dma_start3A_19 : memref<80x128xf32, #tpu.memory_space<hbm>>) target_semaphore(%run_scoped3A : memref<!tpu.dma_semaphore, #tpu.memory_space<semaphore_mem>>)
        %dma_wait3A_20 = arith.constant 0 : i32
        %dma_wait3A_21 = tpu.memref_slice %arg4[%add3A_11, %dma_wait3A_20] : memref<64000x128xf32, #tpu.memory_space<hbm>> -> memref<80x128xf32, #tpu.memory_space<hbm>>
        %dma_wait3A_22 = arith.constant 0 : i32
        %dma_wait3A_23 = tpu.memref_slice %arg4[%add3A_11, %dma_wait3A_22] : memref<64000x128xf32, #tpu.memory_space<hbm>> -> memref<80x128xf32, #tpu.memory_space<hbm>>
        tpu.wait_dma2 semaphore(%run_scoped3A : memref<!tpu.dma_semaphore, #tpu.memory_space<semaphore_mem>>) src(%arg6 : memref<80x128xf32, #tpu.memory_space<vmem>>) dst(%dma_wait3A_23 : memref<80x128xf32, #tpu.memory_space<hbm>>)
        tpu.yield
      }) : () -> ()
    }
    %scan3A_7 = arith.constant 25 : i32
    return
  }
}

#map = affine_map<(d0, d1) -> (0, 0)>
#map1 = affine_map<(d0, d1) -> (0)>
module attributes {stable_mosaic.version = 14 : i64} {
  func.func @gather_k(%arg0: i32, %arg1: i32, %arg2: memref<100000x128xf32, #tpu.memory_space<hbm>>, %arg3: memref<64000xi32, #tpu.memory_space<hbm>>, %arg4: memref<64000x128xf32, #tpu.memory_space<hbm>>, %arg5: memref<80xi32, #tpu.memory_space<vmem>>, %arg6: memref<80x128xf32, #tpu.memory_space<vmem>>, %arg7: memref<!tpu.dma_semaphore, #tpu.memory_space<semaphore_mem>>) attributes {dimension_semantics = [#tpu.dimension_semantics<core_parallel>, #tpu.dimension_semantics<subcore_parallel>], iteration_bounds = array<i64: 2, 16>, scalar_prefetch = 0 : i64, scratch_operands = 3 : i64, tpu.core_type = #tpu.core_type<sc_vector_subcore>, window_params = [{transform_indices = #map}, {transform_indices = #map1}, {transform_indices = #map}]} {
    %mul3A = arith.constant 2 : i32
    %mul3A_0 = arith.muli %arg1, %mul3A : i32
    %add3A = arith.addi %mul3A_0, %arg0 : i32
    %mul3A_1 = arith.constant 2000 : i32
    %mul3A_2 = arith.muli %add3A, %mul3A_1 : i32
    %scan3A = arith.constant 0 : i32
    %scan3A_3 = arith.constant 0 : i32
    %scan3A_4 = arith.constant 25 : i32
    %scan3A_5 = arith.addi %scan3A_3, %scan3A_4 : i32
    %scan3A_6 = arith.constant 1 : i32
    scf.for %scan3A_8 = %scan3A_3 to %scan3A_5 step %scan3A_6  : i32 {
      %mul3A_9 = arith.constant 80 : i32
      %mul3A_10 = arith.muli %scan3A_8, %mul3A_9 : i32
      %add3A_11 = arith.addi %mul3A_2, %mul3A_10 : i32
      "tpu.region"() ({
        %run_scoped3A = tpu.sem_alloc : memref<!tpu.dma_semaphore, #tpu.memory_space<semaphore_mem>>
        %dma_start3A_16 = tpu.memref_slice %arg3[%add3A_11] : memref<64000xi32, #tpu.memory_space<hbm>> -> memref<80xi32, #tpu.memory_space<hbm>>
        %dma_start3A_17 = tpu.memref_slice %arg3[%add3A_11] : memref<64000xi32, #tpu.memory_space<hbm>> -> memref<80xi32, #tpu.memory_space<hbm>>
        tpu.enqueue_dma source(%dma_start3A_17 : memref<80xi32, #tpu.memory_space<hbm>>) target(%arg5 : memref<80xi32, #tpu.memory_space<vmem>>) target_semaphore(%run_scoped3A : memref<!tpu.dma_semaphore, #tpu.memory_space<semaphore_mem>>)
        %dma_wait3A_18 = tpu.memref_slice %arg3[%add3A_11] : memref<64000xi32, #tpu.memory_space<hbm>> -> memref<80xi32, #tpu.memory_space<hbm>>
        %dma_wait3A_19 = tpu.memref_slice %arg3[%add3A_11] : memref<64000xi32, #tpu.memory_space<hbm>> -> memref<80xi32, #tpu.memory_space<hbm>>
        tpu.wait_dma2 semaphore(%run_scoped3A : memref<!tpu.dma_semaphore, #tpu.memory_space<semaphore_mem>>) src(%dma_wait3A_19 : memref<80xi32, #tpu.memory_space<hbm>>) dst(%arg5 : memref<80xi32, #tpu.memory_space<vmem>>)
        tpu.yield
      }) : () -> ()
      %dma_start3A = arith.constant 0 : i32
      %dma_start3A_12 = arith.constant 0 : i32
      %dma_start3A_13 = tpu.memref_slice %arg2[%dma_start3A, %dma_start3A_12] : memref<100000x128xf32, #tpu.memory_space<hbm>> -> memref<100000x128xf32, #tpu.memory_space<hbm>>
      tpu.enqueue_indirect_dma source(%dma_start3A_13 : memref<100000x128xf32, #tpu.memory_space<hbm>>) target(%arg6 : memref<80x128xf32, #tpu.memory_space<vmem>>) offsets(%arg5 : memref<80xi32, #tpu.memory_space<vmem>>) semaphore(%arg7 : memref<!tpu.dma_semaphore, #tpu.memory_space<semaphore_mem>>)
      %dma_wait3A = arith.constant 0 : i32
      %dma_wait3A_14 = arith.constant 0 : i32
      %dma_wait3A_15 = tpu.memref_slice %arg2[%dma_wait3A, %dma_wait3A_14] : memref<100000x128xf32, #tpu.memory_space<hbm>> -> memref<100000x128xf32, #tpu.memory_space<hbm>>
      tpu.wait_indirect_dma semaphore(%arg7 : memref<!tpu.dma_semaphore, #tpu.memory_space<semaphore_mem>>) src(%dma_wait3A_15 : memref<100000x128xf32, #tpu.memory_space<hbm>>) dst(%arg6 : memref<80x128xf32, #tpu.memory_space<vmem>>)
      "tpu.region"() ({
        %run_scoped3A = tpu.sem_alloc : memref<!tpu.dma_semaphore, #tpu.memory_space<semaphore_mem>>
        %dma_start3A_16 = arith.constant 0 : i32
        %dma_start3A_17 = tpu.memref_slice %arg4[%add3A_11, %dma_start3A_16] : memref<64000x128xf32, #tpu.memory_space<hbm>> -> memref<80x128xf32, #tpu.memory_space<hbm>>
        %dma_start3A_18 = arith.constant 0 : i32
        %dma_start3A_19 = tpu.memref_slice %arg4[%add3A_11, %dma_start3A_18] : memref<64000x128xf32, #tpu.memory_space<hbm>> -> memref<80x128xf32, #tpu.memory_space<hbm>>
        tpu.enqueue_dma source(%arg6 : memref<80x128xf32, #tpu.memory_space<vmem>>) target(%dma_start3A_19 : memref<80x128xf32, #tpu.memory_space<hbm>>) target_semaphore(%run_scoped3A : memref<!tpu.dma_semaphore, #tpu.memory_space<semaphore_mem>>)
        %dma_wait3A_20 = arith.constant 0 : i32
        %dma_wait3A_21 = tpu.memref_slice %arg4[%add3A_11, %dma_wait3A_20] : memref<64000x128xf32, #tpu.memory_space<hbm>> -> memref<80x128xf32, #tpu.memory_space<hbm>>
        %dma_wait3A_22 = arith.constant 0 : i32
        %dma_wait3A_23 = tpu.memref_slice %arg4[%add3A_11, %dma_wait3A_22] : memref<64000x128xf32, #tpu.memory_space<hbm>> -> memref<80x128xf32, #tpu.memory_space<hbm>>
        tpu.wait_dma2 semaphore(%run_scoped3A : memref<!tpu.dma_semaphore, #tpu.memory_space<semaphore_mem>>) src(%arg6 : memref<80x128xf32, #tpu.memory_space<vmem>>) dst(%dma_wait3A_23 : memref<80x128xf32, #tpu.memory_space<hbm>>)
        tpu.yield
      }) : () -> ()
    }
    %scan3A_7 = arith.constant 25 : i32
    return
  }
}

#map = affine_map<(d0, d1) -> (0, 0)>
#map1 = affine_map<(d0, d1) -> (0)>
module attributes {stable_mosaic.version = 14 : i64} {
  func.func @gather_k(%arg0: i32, %arg1: i32, %arg2: memref<100000x128xf32, #tpu.memory_space<hbm>>, %arg3: memref<64000xi32, #tpu.memory_space<hbm>>, %arg4: memref<64000x128xf32, #tpu.memory_space<hbm>>, %arg5: memref<80xi32, #tpu.memory_space<vmem>>, %arg6: memref<80x128xf32, #tpu.memory_space<vmem>>, %arg7: memref<!tpu.dma_semaphore, #tpu.memory_space<semaphore_mem>>) attributes {dimension_semantics = [#tpu.dimension_semantics<core_parallel>, #tpu.dimension_semantics<subcore_parallel>], iteration_bounds = array<i64: 2, 16>, scalar_prefetch = 0 : i64, scratch_operands = 3 : i64, tpu.core_type = #tpu.core_type<sc_vector_subcore>, window_params = [{transform_indices = #map}, {transform_indices = #map1}, {transform_indices = #map}]} {
    %mul3A = arith.constant 2 : i32
    %mul3A_0 = arith.muli %arg1, %mul3A : i32
    %add3A = arith.addi %mul3A_0, %arg0 : i32
    %mul3A_1 = arith.constant 2000 : i32
    %mul3A_2 = arith.muli %add3A, %mul3A_1 : i32
    %scan3A = arith.constant 0 : i32
    %scan3A_3 = arith.constant 0 : i32
    %scan3A_4 = arith.constant 25 : i32
    %scan3A_5 = arith.addi %scan3A_3, %scan3A_4 : i32
    %scan3A_6 = arith.constant 1 : i32
    scf.for %scan3A_8 = %scan3A_3 to %scan3A_5 step %scan3A_6  : i32 {
      %mul3A_9 = arith.constant 80 : i32
      %mul3A_10 = arith.muli %scan3A_8, %mul3A_9 : i32
      %add3A_11 = arith.addi %mul3A_2, %mul3A_10 : i32
      "tpu.region"() ({
        %run_scoped3A = tpu.sem_alloc : memref<!tpu.dma_semaphore, #tpu.memory_space<semaphore_mem>>
        %dma_start3A_16 = tpu.memref_slice %arg3[%add3A_11] : memref<64000xi32, #tpu.memory_space<hbm>> -> memref<80xi32, #tpu.memory_space<hbm>>
        %dma_start3A_17 = tpu.memref_slice %arg3[%add3A_11] : memref<64000xi32, #tpu.memory_space<hbm>> -> memref<80xi32, #tpu.memory_space<hbm>>
        tpu.enqueue_dma source(%dma_start3A_17 : memref<80xi32, #tpu.memory_space<hbm>>) target(%arg5 : memref<80xi32, #tpu.memory_space<vmem>>) target_semaphore(%run_scoped3A : memref<!tpu.dma_semaphore, #tpu.memory_space<semaphore_mem>>)
        %dma_wait3A_18 = tpu.memref_slice %arg3[%add3A_11] : memref<64000xi32, #tpu.memory_space<hbm>> -> memref<80xi32, #tpu.memory_space<hbm>>
        %dma_wait3A_19 = tpu.memref_slice %arg3[%add3A_11] : memref<64000xi32, #tpu.memory_space<hbm>> -> memref<80xi32, #tpu.memory_space<hbm>>
        tpu.wait_dma2 semaphore(%run_scoped3A : memref<!tpu.dma_semaphore, #tpu.memory_space<semaphore_mem>>) src(%dma_wait3A_19 : memref<80xi32, #tpu.memory_space<hbm>>) dst(%arg5 : memref<80xi32, #tpu.memory_space<vmem>>)
        tpu.yield
      }) : () -> ()
      %dma_start3A = arith.constant 0 : i32
      %dma_start3A_12 = arith.constant 0 : i32
      %dma_start3A_13 = tpu.memref_slice %arg2[%dma_start3A, %dma_start3A_12] : memref<100000x128xf32, #tpu.memory_space<hbm>> -> memref<100000x128xf32, #tpu.memory_space<hbm>>
      tpu.enqueue_indirect_dma source(%dma_start3A_13 : memref<100000x128xf32, #tpu.memory_space<hbm>>) target(%arg6 : memref<80x128xf32, #tpu.memory_space<vmem>>) offsets(%arg5 : memref<80xi32, #tpu.memory_space<vmem>>) semaphore(%arg7 : memref<!tpu.dma_semaphore, #tpu.memory_space<semaphore_mem>>)
      %dma_wait3A = arith.constant 0 : i32
      %dma_wait3A_14 = arith.constant 0 : i32
      %dma_wait3A_15 = tpu.memref_slice %arg2[%dma_wait3A, %dma_wait3A_14] : memref<100000x128xf32, #tpu.memory_space<hbm>> -> memref<100000x128xf32, #tpu.memory_space<hbm>>
      tpu.wait_indirect_dma semaphore(%arg7 : memref<!tpu.dma_semaphore, #tpu.memory_space<semaphore_mem>>) src(%dma_wait3A_15 : memref<100000x128xf32, #tpu.memory_space<hbm>>) dst(%arg6 : memref<80x128xf32, #tpu.memory_space<vmem>>)
      "tpu.region"() ({
        %run_scoped3A = tpu.sem_alloc : memref<!tpu.dma_semaphore, #tpu.memory_space<semaphore_mem>>
        %dma_start3A_16 = arith.constant 0 : i32
        %dma_start3A_17 = tpu.memref_slice %arg4[%add3A_11, %dma_start3A_16] : memref<64000x128xf32, #tpu.memory_space<hbm>> -> memref<80x128xf32, #tpu.memory_space<hbm>>
        %dma_start3A_18 = arith.constant 0 : i32
        %dma_start3A_19 = tpu.memref_slice %arg4[%add3A_11, %dma_start3A_18] : memref<64000x128xf32, #tpu.memory_space<hbm>> -> memref<80x128xf32, #tpu.memory_space<hbm>>
        tpu.enqueue_dma source(%arg6 : memref<80x128xf32, #tpu.memory_space<vmem>>) target(%dma_start3A_19 : memref<80x128xf32, #tpu.memory_space<hbm>>) target_semaphore(%run_scoped3A : memref<!tpu.dma_semaphore, #tpu.memory_space<semaphore_mem>>)
        %dma_wait3A_20 = arith.constant 0 : i32
        %dma_wait3A_21 = tpu.memref_slice %arg4[%add3A_11, %dma_wait3A_20] : memref<64000x128xf32, #tpu.memory_space<hbm>> -> memref<80x128xf32, #tpu.memory_space<hbm>>
        %dma_wait3A_22 = arith.constant 0 : i32
        %dma_wait3A_23 = tpu.memref_slice %arg4[%add3A_11, %dma_wait3A_22] : memref<64000x128xf32, #tpu.memory_space<hbm>> -> memref<80x128xf32, #tpu.memory_space<hbm>>
        tpu.wait_dma2 semaphore(%run_scoped3A : memref<!tpu.dma_semaphore, #tpu.memory_space<semaphore_mem>>) src(%arg6 : memref<80x128xf32, #tpu.memory_space<vmem>>) dst(%dma_wait3A_23 : memref<80x128xf32, #tpu.memory_space<hbm>>)
        tpu.yield
      }) : () -> ()
    }
    %scan3A_7 = arith.constant 25 : i32
    return
  }
}

module attributes {stable_mosaic.version = 14 : i64} {
  func.func @_tc_body(%arg0: i32, %arg1: memref<6400x128xf32, #tpu.memory_space<vmem>>, %arg2: memref<6400x4xf32, #tpu.memory_space<vmem>>, %arg3: memref<128x384xf32, #tpu.memory_space<vmem>>, %arg4: memref<4x384xf32, #tpu.memory_space<vmem>>, %arg5: memref<128x384xf32, #tpu.memory_space<vmem>>, %arg6: memref<1x384xf32, #tpu.memory_space<vmem>>, %arg7: memref<128x128xf32, #tpu.memory_space<vmem>>, %arg8: memref<1x128xf32, #tpu.memory_space<vmem>>, %arg9: memref<200x128xf32, #tpu.memory_space<vmem>>) attributes {dimension_semantics = [#tpu.dimension_semantics<parallel>], iteration_bounds = array<i64: 10>, scalar_prefetch = 0 : i64, scratch_operands = 0 : i64, tpu.core_type = #tpu.core_type<tc>, window_params = [{transform_indices = @transform_0, window_bounds = array<i64: 6400, 128>}, {transform_indices = @transform_1, window_bounds = array<i64: 6400, 4>}, {pipeline_mode = #tpu.pipeline_mode<synchronous>, transform_indices = @transform_2, window_bounds = array<i64: 128, 384>}, {pipeline_mode = #tpu.pipeline_mode<synchronous>, transform_indices = @transform_3, window_bounds = array<i64: 4, 384>}, {pipeline_mode = #tpu.pipeline_mode<synchronous>, transform_indices = @transform_4, window_bounds = array<i64: 128, 384>}, {pipeline_mode = #tpu.pipeline_mode<synchronous>, transform_indices = @transform_5, window_bounds = array<i64: 1, 384>}, {pipeline_mode = #tpu.pipeline_mode<synchronous>, transform_indices = @transform_6, window_bounds = array<i64: 128, 128>}, {pipeline_mode = #tpu.pipeline_mode<synchronous>, transform_indices = @transform_7, window_bounds = array<i64: 1, 128>}, {transform_indices = @transform_8, window_bounds = array<i64: 200, 128>}]} {
    %get3A = arith.constant 0 : index
    %get3A_0 = arith.constant 0 : index
    %get3A_1 = vector.load %arg1[%get3A, %get3A_0] : memref<6400x128xf32, #tpu.memory_space<vmem>>, vector<6400x128xf32>
    %get3A_2 = arith.constant 0 : index
    %get3A_3 = arith.constant 0 : index
    %get3A_4 = vector.load %arg3[%get3A_2, %get3A_3] : memref<128x384xf32, #tpu.memory_space<vmem>>, vector<128x384xf32>
    %dot_general3A = arith.constant dense<0.000000e+00> : vector<6400x384xf32>
    %dot_general3A_5 = tpu.matmul %get3A_1, %get3A_4, %dot_general3A {dimension_numbers = #tpu.dot_dimension_numbers<[1], [0], [0], [1], [0, 0, 1, 1], [], []>, transpose_lhs_hint = false} : vector<6400x128xf32>, vector<128x384xf32>, vector<6400x384xf32> -> vector<6400x384xf32>
    %get3A_6 = arith.constant 0 : index
    %get3A_7 = arith.constant 0 : index
    %get3A_8 = vector.load %arg2[%get3A_6, %get3A_7] : memref<6400x4xf32, #tpu.memory_space<vmem>>, vector<6400x4xf32>
    %get3A_9 = arith.constant 0 : index
    %get3A_10 = arith.constant 0 : index
    %get3A_11 = vector.load %arg4[%get3A_9, %get3A_10] : memref<4x384xf32, #tpu.memory_space<vmem>>, vector<4x384xf32>
    %dot_general3A_12 = arith.constant dense<0.000000e+00> : vector<6400x384xf32>
    %dot_general3A_13 = tpu.matmul %get3A_8, %get3A_11, %dot_general3A_12 {dimension_numbers = #tpu.dot_dimension_numbers<[1], [0], [0], [1], [0, 0, 1, 1], [], []>, transpose_lhs_hint = false} : vector<6400x4xf32>, vector<4x384xf32>, vector<6400x384xf32> -> vector<6400x384xf32>
    %add3A = arith.addf %dot_general3A_5, %dot_general3A_13 : vector<6400x384xf32>
    %reshape3A = vector.shape_cast %add3A : vector<6400x384xf32> to vector<200x32x384xf32>
    %slice3A = vector.extract_strided_slice %reshape3A {offsets = [0, 0, 0], sizes = [200, 32, 128], strides = [1, 1, 1]} : vector<200x32x384xf32> to vector<200x32x128xf32>
    %slice3A_14 = vector.extract_strided_slice %reshape3A {offsets = [0, 0, 128], sizes = [200, 32, 128], strides = [1, 1, 1]} : vector<200x32x384xf32> to vector<200x32x128xf32>
    %slice3A_15 = vector.extract_strided_slice %reshape3A {offsets = [0, 0, 256], sizes = [200, 32, 128], strides = [1, 1, 1]} : vector<200x32x384xf32> to vector<200x32x128xf32>
    %get3A_16 = arith.constant 0 : index
    %get3A_17 = arith.constant 0 : index
    %get3A_18 = vector.load %arg6[%get3A_16, %get3A_17] : memref<1x384xf32, #tpu.memory_space<vmem>>, vector<1x384xf32>
    %slice3A_19 = vector.extract_strided_slice %get3A_18 {offsets = [0, 256], sizes = [1, 128], strides = [1, 1]} : vector<1x384xf32> to vector<1x128xf32>
    %mul3A = arith.constant 5.000000e-01 : f32
    %mul3A_20 = vector.broadcast %mul3A : f32 to vector<200x32x128xf32>
    %mul3A_21 = arith.mulf %mul3A_20, %slice3A : vector<200x32x128xf32>
    %tanh3A = math.tanh %mul3A_21 : vector<200x32x128xf32>
    %mul3A_22 = arith.constant 5.000000e-01 : f32
    %mul3A_23 = vector.broadcast %mul3A_22 : f32 to vector<200x32x128xf32>
    %mul3A_24 = arith.mulf %mul3A_23, %tanh3A : vector<200x32x128xf32>
    %add3A_25 = arith.constant 5.000000e-01 : f32
    %add3A_26 = vector.broadcast %add3A_25 : f32 to vector<200x32x128xf32>
    %add3A_27 = arith.addf %add3A_26, %mul3A_24 : vector<200x32x128xf32>
    %mul3A_28 = arith.constant 5.000000e-01 : f32
    %mul3A_29 = vector.broadcast %mul3A_28 : f32 to vector<200x32x128xf32>
    %mul3A_30 = arith.mulf %mul3A_29, %slice3A_14 : vector<200x32x128xf32>
    %tanh3A_31 = math.tanh %mul3A_30 : vector<200x32x128xf32>
    %mul3A_32 = arith.constant 5.000000e-01 : f32
    %mul3A_33 = vector.broadcast %mul3A_32 : f32 to vector<200x32x128xf32>
    %mul3A_34 = arith.mulf %mul3A_33, %tanh3A_31 : vector<200x32x128xf32>
    %add3A_35 = arith.constant 5.000000e-01 : f32
    %add3A_36 = vector.broadcast %add3A_35 : f32 to vector<200x32x128xf32>
    %add3A_37 = arith.addf %add3A_36, %mul3A_34 : vector<200x32x128xf32>
    %broadcast_in_dim3A = vector.shape_cast %slice3A_19 : vector<1x128xf32> to vector<1x1x128xf32>
    %mul3A_38 = vector.broadcast %broadcast_in_dim3A : vector<1x1x128xf32> to vector<200x32x128xf32>
    %mul3A_39 = arith.mulf %add3A_27, %mul3A_38 : vector<200x32x128xf32>
    %add3A_40 = arith.addf %slice3A_15, %mul3A_39 : vector<200x32x128xf32>
    %tanh3A_41 = math.tanh %add3A_40 : vector<200x32x128xf32>
    %sub3A = arith.constant 1.000000e+00 : f32
    %sub3A_42 = vector.broadcast %sub3A : f32 to vector<200x32x128xf32>
    %sub3A_43 = arith.subf %sub3A_42, %add3A_37 : vector<200x32x128xf32>
    %mul3A_44 = arith.mulf %tanh3A_41, %sub3A_43 : vector<200x32x128xf32>
    %reduce_sum3A = arith.constant dense<0.000000e+00> : vector<200x128xf32>
    %reduce_sum3A_45 = vector.multi_reduction <add>, %mul3A_44, %reduce_sum3A [1] : vector<200x32x128xf32> to vector<200x128xf32>
    %mul3A_46 = arith.constant 3.125000e-02 : f32
    %mul3A_47 = vector.broadcast %mul3A_46 : f32 to vector<200x128xf32>
    %mul3A_48 = arith.mulf %reduce_sum3A_45, %mul3A_47 : vector<200x128xf32>
    %get3A_49 = arith.constant 0 : index
    %get3A_50 = arith.constant 0 : index
    %get3A_51 = vector.load %arg5[%get3A_49, %get3A_50] : memref<128x384xf32, #tpu.memory_space<vmem>>, vector<128x384xf32>
    %dot_general3A_52 = arith.constant dense<0.000000e+00> : vector<200x384xf32>
    %dot_general3A_53 = tpu.matmul %mul3A_48, %get3A_51, %dot_general3A_52 {dimension_numbers = #tpu.dot_dimension_numbers<[1], [0], [0], [1], [0, 0, 1, 1], [], []>, transpose_lhs_hint = false} : vector<200x128xf32>, vector<128x384xf32>, vector<200x384xf32> -> vector<200x384xf32>
    %add3A_54 = vector.broadcast %get3A_18 : vector<1x384xf32> to vector<200x384xf32>
    %add3A_55 = arith.addf %dot_general3A_53, %add3A_54 : vector<200x384xf32>
    %broadcast_in_dim3A_56 = vector.shape_cast %add3A_55 : vector<200x384xf32> to vector<200x1x384xf32>
    %broadcast_in_dim3A_57 = vector.broadcast %broadcast_in_dim3A_56 : vector<200x1x384xf32> to vector<200x32x384xf32>
    %slice3A_58 = vector.extract_strided_slice %broadcast_in_dim3A_57 {offsets = [0, 0, 0], sizes = [200, 32, 128], strides = [1, 1, 1]} : vector<200x32x384xf32> to vector<200x32x128xf32>
    %add3A_59 = arith.addf %slice3A, %slice3A_58 : vector<200x32x128xf32>
    %mul3A_60 = arith.constant 5.000000e-01 : f32
    %mul3A_61 = vector.broadcast %mul3A_60 : f32 to vector<200x32x128xf32>
    %mul3A_62 = arith.mulf %mul3A_61, %add3A_59 : vector<200x32x128xf32>
    %tanh3A_63 = math.tanh %mul3A_62 : vector<200x32x128xf32>
    %mul3A_64 = arith.constant 5.000000e-01 : f32
    %mul3A_65 = vector.broadcast %mul3A_64 : f32 to vector<200x32x128xf32>
    %mul3A_66 = arith.mulf %mul3A_65, %tanh3A_63 : vector<200x32x128xf32>
    %add3A_67 = arith.constant 5.000000e-01 : f32
    %add3A_68 = vector.broadcast %add3A_67 : f32 to vector<200x32x128xf32>
    %add3A_69 = arith.addf %add3A_68, %mul3A_66 : vector<200x32x128xf32>
    %slice3A_70 = vector.extract_strided_slice %broadcast_in_dim3A_57 {offsets = [0, 0, 128], sizes = [200, 32, 128], strides = [1, 1, 1]} : vector<200x32x384xf32> to vector<200x32x128xf32>
    %add3A_71 = arith.addf %slice3A_14, %slice3A_70 : vector<200x32x128xf32>
    %mul3A_72 = arith.constant 5.000000e-01 : f32
    %mul3A_73 = vector.broadcast %mul3A_72 : f32 to vector<200x32x128xf32>
    %mul3A_74 = arith.mulf %mul3A_73, %add3A_71 : vector<200x32x128xf32>
    %tanh3A_75 = math.tanh %mul3A_74 : vector<200x32x128xf32>
    %mul3A_76 = arith.constant 5.000000e-01 : f32
    %mul3A_77 = vector.broadcast %mul3A_76 : f32 to vector<200x32x128xf32>
    %mul3A_78 = arith.mulf %mul3A_77, %tanh3A_75 : vector<200x32x128xf32>
    %add3A_79 = arith.constant 5.000000e-01 : f32
    %add3A_80 = vector.broadcast %add3A_79 : f32 to vector<200x32x128xf32>
    %add3A_81 = arith.addf %add3A_80, %mul3A_78 : vector<200x32x128xf32>
    %slice3A_82 = vector.extract_strided_slice %broadcast_in_dim3A_57 {offsets = [0, 0, 256], sizes = [200, 32, 128], strides = [1, 1, 1]} : vector<200x32x384xf32> to vector<200x32x128xf32>
    %mul3A_83 = arith.mulf %add3A_69, %slice3A_82 : vector<200x32x128xf32>
    %add3A_84 = arith.addf %slice3A_15, %mul3A_83 : vector<200x32x128xf32>
    %tanh3A_85 = math.tanh %add3A_84 : vector<200x32x128xf32>
    %broadcast_in_dim3A_86 = vector.shape_cast %mul3A_48 : vector<200x128xf32> to vector<200x1x128xf32>
    %broadcast_in_dim3A_87 = vector.broadcast %broadcast_in_dim3A_86 : vector<200x1x128xf32> to vector<200x32x128xf32>
    %sub3A_88 = arith.subf %broadcast_in_dim3A_87, %tanh3A_85 : vector<200x32x128xf32>
    %mul3A_89 = arith.mulf %add3A_81, %sub3A_88 : vector<200x32x128xf32>
    %add3A_90 = arith.addf %tanh3A_85, %mul3A_89 : vector<200x32x128xf32>
    %reduce_sum3A_91 = arith.constant dense<0.000000e+00> : vector<200x128xf32>
    %reduce_sum3A_92 = vector.multi_reduction <add>, %add3A_90, %reduce_sum3A_91 [1] : vector<200x32x128xf32> to vector<200x128xf32>
    %mul3A_93 = arith.constant 3.125000e-02 : f32
    %mul3A_94 = vector.broadcast %mul3A_93 : f32 to vector<200x128xf32>
    %mul3A_95 = arith.mulf %reduce_sum3A_92, %mul3A_94 : vector<200x128xf32>
    %get3A_96 = arith.constant 0 : index
    %get3A_97 = arith.constant 0 : index
    %get3A_98 = vector.load %arg7[%get3A_96, %get3A_97] : memref<128x128xf32, #tpu.memory_space<vmem>>, vector<128x128xf32>
    %dot_general3A_99 = arith.constant dense<0.000000e+00> : vector<200x128xf32>
    %dot_general3A_100 = tpu.matmul %mul3A_95, %get3A_98, %dot_general3A_99 {dimension_numbers = #tpu.dot_dimension_numbers<[1], [0], [0], [1], [0, 0, 1, 1], [], []>, transpose_lhs_hint = false} : vector<200x128xf32>, vector<128x128xf32>, vector<200x128xf32> -> vector<200x128xf32>
    %get3A_101 = arith.constant 0 : index
    %get3A_102 = arith.constant 0 : index
    %get3A_103 = vector.load %arg8[%get3A_101, %get3A_102] : memref<1x128xf32, #tpu.memory_space<vmem>>, vector<1x128xf32>
    %add3A_104 = vector.broadcast %get3A_103 : vector<1x128xf32> to vector<200x128xf32>
    %add3A_105 = arith.addf %dot_general3A_100, %add3A_104 : vector<200x128xf32>
    %swap3A = arith.constant 0 : index
    %swap3A_106 = arith.constant 0 : index
    %swap3A_107 = vector.load %arg9[%swap3A, %swap3A_106] : memref<200x128xf32, #tpu.memory_space<vmem>>, vector<200x128xf32>
    tpu.vector_store %arg9[%swap3A, %swap3A_106], %add3A_105 {strides = array<i32>} : memref<200x128xf32, #tpu.memory_space<vmem>>, vector<200x128xf32>,
    return
  }
  func.func @transform_0(%arg0: i32) -> (i32, i32) {
    %c0_i32 = arith.constant 0 : i32
    %c0_i32_0 = arith.constant 0 : i32
    return %arg0, %c0_i32 : i32, i32
  }
  func.func @transform_1(%arg0: i32) -> (i32, i32) {
    %c0_i32 = arith.constant 0 : i32
    %c0_i32_0 = arith.constant 0 : i32
    return %arg0, %c0_i32 : i32, i32
  }
  func.func @transform_2(%arg0: i32) -> (i32, i32) {
    %c0_i32 = arith.constant 0 : i32
    %c0_i32_0 = arith.constant 0 : i32
    %c0_i32_1 = arith.constant 0 : i32
    return %c0_i32, %c0_i32_0 : i32, i32
  }
  func.func @transform_3(%arg0: i32) -> (i32, i32) {
    %c0_i32 = arith.constant 0 : i32
    %c0_i32_0 = arith.constant 0 : i32
    %c0_i32_1 = arith.constant 0 : i32
    return %c0_i32, %c0_i32_0 : i32, i32
  }
  func.func @transform_4(%arg0: i32) -> (i32, i32) {
    %c0_i32 = arith.constant 0 : i32
    %c0_i32_0 = arith.constant 0 : i32
    %c0_i32_1 = arith.constant 0 : i32
    return %c0_i32, %c0_i32_0 : i32, i32
  }
  func.func @transform_5(%arg0: i32) -> (i32, i32) {
    %c0_i32 = arith.constant 0 : i32
    %c0_i32_0 = arith.constant 0 : i32
    %c0_i32_1 = arith.constant 0 : i32
    return %c0_i32, %c0_i32_0 : i32, i32
  }
  func.func @transform_6(%arg0: i32) -> (i32, i32) {
    %c0_i32 = arith.constant 0 : i32
    %c0_i32_0 = arith.constant 0 : i32
    %c0_i32_1 = arith.constant 0 : i32
    return %c0_i32, %c0_i32_0 : i32, i32
  }
  func.func @transform_7(%arg0: i32) -> (i32, i32) {
    %c0_i32 = arith.constant 0 : i32
    %c0_i32_0 = arith.constant 0 : i32
    %c0_i32_1 = arith.constant 0 : i32
    return %c0_i32, %c0_i32_0 : i32, i32
  }
  func.func @transform_8(%arg0: i32) -> (i32, i32) {
    %c0_i32 = arith.constant 0 : i32
    %c0_i32_0 = arith.constant 0 : i32
    return %arg0, %c0_i32 : i32, i32
  }
}

</mosaic_0001>

<sc_bundles>
// kernel: kernel.12.cloned.1.call-start
scs
__scs_entry_jumppad:
0x0: {  	(pc) =	sbr.rel $0x88, $3  }
0x1: {  	(tag) =	ssettag $0x0;
	lr =	simm.s32 $0x1  }
0x2: {  	[smem:$0x3F98] =	sst lr;
	_ =	strace $0xD0000000  }
0x3: {  	_ = 	snop  }
0x4: {  	_ = 	snop  }
0x5: {  	_ = 	snop  }
0x6: {  	_ = 	snop  }
0x7: {  	_ = 	snop  }
__scs_overlays_trampoline_lowered:
0x8: {  	[smem:$0x3FA7] =	sst s0  }
0x9: {  	[smem:$0x3FA8] =	sst s1  }
0xa: {  	[smem:$0x3FA9] =	sst s2  }
0xb: {  	[smem:$0x3FAA] =	sst s3  }
0xc: {  	[smem:$0x3FAB] =	sst s4  }
0xd: {  	[smem:$0x3FAC] =	sst s5  }
0xe: {  	[smem:$0x3FAD] =	sst s6  }
0xf: {  	[smem:$0x3FAE] =	sst s7  }
0x10: {  	[smem:$0x3FAF] =	sst s8  }
0x11: {  	[smem:$0x3FB0] =	sst s9;
	s0 =	simm.s32 @!p0 $0x0  }
0x12: {  	s1 =	sld [smem:$0x3F96];
	s0 =	simm.s32 @p0 $0x1  }
0x13: {  	[smem:$0x3FB1] =	sst s0;
	s0 =	simm.s32 @!p1 $0x0  }
0x14: {  	s2 =	sld [smem:$0x3F95];
	s0 =	simm.s32 @p1 $0x1  }
0x15: {  	[smem:$0x3FB2] =	sst s0;
	s0 =	simm.s32 @!p2 $0x0  }
0x16: {  	s3 =	sld [smem:$0x3FDB];
	s0 =	simm.s32 @p2 $0x1  }
0x17: {  	s4 =	simm.s32 $0x1BF5;
	[smem:$0x3FB4] =	sst s0  }
0x18: {  	s0 =	sld [smem:$0x3F97];
	_ =	swait.ge [sflag:s4], $0x0  }
0x19: {  	s7 =	sld [smem:$0x3F98]  }
0x1a: {  	s8 =	sadd.s32 $0xFFFFE003, lr  }
0x1b: {  	s9 =	sadd.s32 $0xFFFFFEF7, lr;
	s5 =	simm.s32 $0xFFFFFFFF;
	p2 =	slt.u32 s8, $0xFFFFF086  }
0x1c: {  	p1 =	slt.u32 s9, $0xF7A;
	s5 =	simm.s32 @!p2 $0x0  }
0x1d: {  	s5 =	simm.s32 @p1 $0x1;
	p0 =	seq.s32 s7, s2  }
0x1e: {  	s7 =	smul.u32 @!p0 $0xF7A, s2;
	p2 =	seq.s32 @!p0 s5, $0x0  }
0x1f: {  	s9 =	smul.u32 $0xF7A, s1;
	s8 =	simm.s32 @!p0 $0x1BF5;
	p2 =	por !p2, p0  }
0x20: {  	[sflag:s8] =	ssyncset.s32 @!p0 $0xFFFFF086;
	s6 =	sadd.s32 @!p0 s3, s7;
	s7 =	simm.s32 @!p0 $0x108  }
0x21: {  	s3 =	sadd.s32 s3, s9;
	s6 =	sadd.s32 @!p0 $0x88, s6;
	s7 =	simm.s32 @p2 $0x1082  }
0x22: {  	[simem:s7], [sflag:s8] =	dma.local @!p0 [hbm:s6], $0xF7A  }
0x23: {  	s9 =	sor.u32 $0xD0000000, s2;
	s6 =	simm.s32 $0x108;
	_ =	swait.ge @!p0 [sflag:s8], $0x0  }
0x24: {  	s3 =	sadd.s32 $0x88, s3;
	s6 =	simm.s32 @!p1 $0x1082;
	[sflag:s4] =	ssyncset.s32 $0xFFFFF086  }
0x25: {  	[simem:s6], [sflag:s4] =	dma.local [hbm:s3], $0xF7A  }
0x26: {  	[smem:$0x3F98] =	sst s1;
	(tag) =	ssettag s2;
	_ =	strace s9  }
0x27: {  	s1 =	sld [smem:$0x3FA8]  }
0x28: {  	s2 =	sld [smem:$0x3FA9]  }
0x29: {  	s4 =	sld [smem:$0x3FAB]  }
0x2a: {  	p0 =	seq.s32 s5, $0x0;
	s5 =	sld [smem:$0x3FAC]  }
0x2b: {  	s6 =	sld [smem:$0x3FAD]  }
0x2c: {  	s7 =	sld [smem:$0x3FAE]  }
0x2d: {  	s3 =	simm.s32 $0x108;
	s8 =	sld [smem:$0x3FAF]  }
0x2e: {  	s3 =	simm.s32 @!p0 $0x1082;
	s9 =	sld [smem:$0x3FB0]  }
0x2f: {  	lr =	sadd.s32 s0, s3;
	s0 =	sld [smem:$0x3FA7]  }
0x30: {  	s3 =	sld [smem:$0x3FAA]  }
0x31: {  	[smem:$0x3FB3] =	sst s10  }
0x32: {  	s10 =	sld [smem:$0x3FB1];
	_ =	sdelay $0x3  }
0x33: {  	p0 =	seq.s32 s10, $0x1;
	s10 =	sld [smem:$0x3FB3];
	_ =	sdelay $0x3  }
0x34: {  	[smem:$0x3FB3] =	sst s10  }
0x35: {  	s10 =	sld [smem:$0x3FB2];
	_ =	sdelay $0x3  }
0x36: {  	p1 =	seq.s32 s10, $0x1;
	s10 =	sld [smem:$0x3FB3];
	_ =	sdelay $0x3  }
0x37: {  	[smem:$0x3FB3] =	sst s10  }
0x38: {  	s10 =	sld [smem:$0x3FB4]  }
0x39: {  	_ = 	snop;
	(pc) =	sbr.ind lr, $3  }
0x3a: {  	_ = 	snop  }
0x3b: {  	_ = 	snop  }
0x3c: {  	p2 =	seq.s32 s10, $0x1;
	s10 =	sld [smem:$0x3FB3]  }
0x3d: {  	_ =	shalt  }
0x3e: {  	_ =	shalt  }
0x3f: {  	_ =	shalt  }
0x40: {  	_ =	shalt  }
0x41: {  	_ =	shalt  }
0x42: {  	_ =	shalt  }
0x43: {  	_ =	shalt  }
0x44: {  	_ =	shalt  }
0x45: {  	_ =	shalt  }
0x46: {  	_ =	shalt  }
0x47: {  	_ =	shalt  }
0x48: {  	_ =	shalt  }
0x49: {  	_ =	shalt  }
0x4a: {  	_ =	shalt  }
0x4b: {  	_ =	shalt  }
0x4c: {  	_ =	shalt  }
0x4d: {  	_ =	shalt  }
0x4e: {  	_ =	shalt  }
0x4f: {  	_ =	shalt  }
0x50: {  	_ =	shalt  }
0x51: {  	_ =	shalt  }
0x52: {  	_ =	shalt  }
0x53: {  	_ =	shalt  }
0x54: {  	_ =	shalt  }
0x55: {  	_ =	shalt  }
0x56: {  	_ =	shalt  }
0x57: {  	_ =	shalt  }
0x58: {  	_ =	shalt  }
0x59: {  	_ =	shalt  }
0x5a: {  	_ =	shalt  }
0x5b: {  	_ =	shalt  }
0x5c: {  	_ =	shalt  }
0x5d: {  	_ =	shalt  }
0x5e: {  	_ =	shalt  }
0x5f: {  	_ =	shalt  }
0x60: {  	_ =	shalt  }
0x61: {  	_ =	shalt  }
0x62: {  	_ =	shalt  }
0x63: {  	_ =	shalt  }
0x64: {  	_ =	shalt  }
0x65: {  	_ =	shalt  }
0x66: {  	_ =	shalt  }
0x67: {  	_ =	shalt  }
0x68: {  	_ =	shalt  }
0x69: {  	_ =	shalt  }
0x6a: {  	_ =	shalt  }
0x6b: {  	_ =	shalt  }
0x6c: {  	_ =	shalt  }
0x6d: {  	_ =	shalt  }
0x6e: {  	_ =	shalt  }
0x6f: {  	_ =	shalt  }
0x70: {  	_ =	shalt  }
0x71: {  	_ =	shalt  }
0x72: {  	_ =	shalt  }
0x73: {  	_ =	shalt  }
0x74: {  	_ =	shalt  }
0x75: {  	_ =	shalt  }
0x76: {  	_ =	shalt  }
0x77: {  	_ =	shalt  }
0x78: {  	_ =	shalt  }
0x79: {  	_ =	shalt  }
0x7a: {  	_ =	shalt  }
0x7b: {  	_ =	shalt  }
0x7c: {  	_ =	shalt  }
0x7d: {  	_ =	shalt  }
0x7e: {  	_ =	shalt  }
0x7f: {  	_ =	shalt  }
0x80: {  	_ =	shalt  }
0x81: {  	_ =	shalt  }
0x82: {  	_ =	shalt  }
0x83: {  	_ =	shalt  }
0x84: {  	_ =	shalt  }
0x85: {  	_ =	shalt  }
0x86: {  	_ =	shalt  }
0x87: {  	_ =	shalt  }
.Lfunc_end0:
.L_simem_size_0:
called_computation_lowered:
.L_overlay_start_0:
0x88: {  	s2 =	sld [smem:$0x3FD9]  }
0x89: {  	s3 =	sld [smem:$0x3FFE];
	_ =	sdelay $0x1  }
0x8a: {  	s1 =	srdreg.scid  }
0x8b: {  	s0 =	sand.u32 $0x1, s1  }
0x8c: {  	s17 =	sshll.u32 s0, $0xA;
	s2 =	sadd.s32 s3, s2  }
0x8d: {  	s2 =	sadd.s32 s2, s17  }
0x8e: {  	[smem:$0x3FBF] =	sst s2  }
0x8f: {  	_ = 	snop  }
0x90: {  	s18 =	sld [smem:$0x3FC7]  }
0x91: {  	s4 =	sld [smem:$0x3FD0];
	(tm) =	ssettm $0x1  }
0x92: {  	s19 =	sld [smem:$0x3FFB];
	_ =	sdelay $0x3  }
0x93: {  	_ =	strace s19  }
0x94: {  	s2 =	sld [smem:$0x3FFC];
	_ =	sdelay $0x3  }
0x95: {  	_ =	strace s2  }
0x96: {  	s2 =	sld [smem:$0x3FFD];
	_ =	sdelay $0x3  }
0x97: {  	_ =	strace s2  }
0x98: {  	_ =	strace $0x8FFFFFFF  }
0x99: {  	s20 =	sld [smem:$0x3FDB];
	_ =	sdelay $0x1  }
0x9a: {  	s5 =	simm.s32 $_scs_section_size  }
0x9b: {  	s6 =	simm.s32 $_size__tile_overlayer_lowered;
	s7 =	simm.s32 $_tile_overlayer_lowered  }
0x9c: {  	s8 =	simm.s32 $0x1BFF;
	s21 =	sshll.u32 s7, $0x1;
	s5 =	sadd.s32 s5, s20  }
0x9d: {  	s22 =	simm.s32 $0x0;
	s6 =	sshll.u32 s6, $0x1;
	s7 =	sadd.s32 s21, s5  }
0x9e: {  	[timem:s22], [sflag:s8] =	dma.local [hbm:s7], s6  }
0x9f: {  	_ =	swait.ge [sflag:s8], s6  }
0xa0: {  	s6 =	ssub.s32 $0x0, s6;
	[sflag:s8] =	ssyncset.done $0x0  }
0xa1: {  	[sflag:s8] =	ssyncadd.s32 s6;
	_ =	sdelay $0x1  }
0xa2: {  	s23 =	simm.s32 $0x1B8B  }
0xa3: {  	_ =	swait.ge [sflag:s23], $0x1  }
0xa4: {  	[sflag:s23] =	ssyncset.done $0x0  }
0xa5: {  	[sflag:s23] =	ssyncadd.s32 $0xFFFFFFFF  }
0xa6: {  	s6 =	sld [smem:$0x0]  }
0xa7: {  	s7 =	sand.u32 $0xFFFFFFFE, s1  }
0xa8: {  	p0 =	sne.s32 s1, s7  }
0xa9: {  	s7 =	sshll.u32 @p0 s7, $0xE  }
0xaa: {  	s7 =	sadd.s32 @p0 $0x11B8D, s7;
	s8 =	sshll.u32 @p0 s6, $0x11  }
0xab: {  	s7 =	sor.u32 @p0 s8, s7  }
0xac: {  	[sflag:s7] =	ssyncadd.remote.s32 @p0 $0x1;
	_ =	sdelay $0x1  }
0xad: {  	s7 =	simm.s32 @p0 $0x1B8D  }
0xae: {  	_ =	swait.eq @p0 [sflag:s7], $0x1  }
0xaf: {  	[sflag:s7] =	ssyncadd.s32 @p0 $0xFFFFFFFF  }
0xb0: {  	s8 =	sshll.u32 @!p0 s1, $0xE  }
0xb1: {  	s8 =	sor.u32 @!p0 $0x4000, s8;
	s7 =	simm.s32 @!p0 $0x1B8D  }
0xb2: {  	s6 =	sshll.u32 @!p0 s6, $0x11;
	s8 =	sadd.s32 @!p0 $0x11B8D, s8;
	_ =	swait.eq @!p0 [sflag:s7], $0x1  }
0xb3: {  	s6 =	sor.u32 @!p0 s6, s8;
	[sflag:s7] =	ssyncadd.s32 @!p0 $0xFFFFFFFF  }
0xb4: {  	s25 =	simm.s32 $0x1B8E;
	s24 =	sld [smem:$0x3FFE];
	[sflag:s6] =	ssyncadd.remote.s32 @!p0 $0x1  }
0xb5: {  	s26 =	simm.s32 $execute0_lowered;
	[smem:$0x3FD2] =	sst s25  }
0xb6: {  	s7 =	sshll.u32 s26, $0x1;
	_ =	strace $0x80000049;
	[dreg:$0x1] =	wrdreg $0xFFFFFFFF  }
0xb7: {  	s28 =	simm.s32 $_size_execute0_lowered;
	s5 =	sadd.s32 s5, s7;
	[dreg:$0x0] =	wrdreg $0x0  }
0xb8: {  	s7 =	sshll.u32 s28, $0x1;
	[dreg:$0x2] =	wrdreg s5  }
0xb9: {  	[dreg:$0x3] =	wrdreg s7  }
0xba: {  	[dreg:$0x4] =	wrdreg $0xC0  }
0xbb: {  	_ =	task [dreg:s22], $0x5FFFF  }
0xbc: {  	[dreg:$0x1] =	wrdreg $0xFFFFFFFF  }
0xbd: {  	[dreg:$0x0] =	wrdreg $0x60  }
0xbe: {  	[dreg:$0x2] =	wrdreg s18  }
0xbf: {  	[dreg:$0x3] =	wrdreg s4  }
0xc0: {  	[dreg:$0x4] =	wrdreg s24  }
0xc1: {  	[dreg:$0x5] =	wrdreg $0x9  }
0xc2: {  	_ =	task.clear_ibuf [dreg:s22], $0x6FFFF;
	_ =	strace $0x90000049  }
0xc3: {  	s29 =	simm.s32 $0x9;
	_ =	strace $0x8000004B  }
0xc4: {  	_ =	swait.ge [sflag:s29], $0x1  }
0xc5: {  	[sflag:s29] =	ssyncadd.s32 $0xFFFFFFFF  }
0xc6: {  	_ =	strace $0x9000004B  }
0xc7: {  	_ =	sfence  }
0xc8: {  	s30 =	sld [smem:$0x0];
	_ =	sdelay $0x2  }
0xc9: {  	s31 =	sshll.u32 s1, $0xD;
	s1 =	sshrl.u32 s1, $0x2  }
0xca: {  	s4 =	sand.u32 $0x4000, s31;
	s1 =	sadd.s32 s1, s30  }
0xcb: {  	s0 =	sor.u32 s4, s0;
	s1 =	sshll.u32 s1, $0x11  }
0xcc: {  	s0 =	sor.u32 s1, s0  }
0xcd: {  	s0 =	sadd.s32 $0x8F2B, s0  }
0xce: {  	[sflag:s0] =	ssyncadd.remote.s32 $0x1  }
0xcf: {  	_ =	sfence.sel $0xFFFF  }
0xd0: {  	[dreg:$0x0] =	wrdreg $0xFFFFFFFF;
	(pc) =	sbr.abs _section_cstart, $3  }
0xd1: {  	[dreg:$0x1] =	wrdreg $0xFFFFFFFF  }
0xd2: {  	_ =	task.clear_ibuf [dreg:s22], $0x2FFFF;
	_ =	strace $0x9FFFFFFF  }
0xd3: {  	(tm) =	ssettm $0x7FFFFFFF  }
tec
execute0_lowered:
.L_overlay_start_1:
0x0: {  	(tag) =	ssettag $0x1  }
0x1: {  	s1 =	rddreg [dreg:$0x0]  }
0x2: {  	s0 =	stileid.u32;
	s6 =	rddreg [dreg:$0x1]  }
0x3: {  	s2 =	srdreg.scid;
	s7 =	rddreg [dreg:$0x2]  }
0x4: {  	s3 =	simm.s32 $0x0;
	s11 =	simm.s32 $0x0;
	s4 =	smul.u32 $0xFA00, s0  }
0x5: {  	s5 =	sand.u32 $0x1, s2;
	s2 =	rddreg [dreg:$0x3];
	s9 =	smul.u32 $0xFA0, s0  }
0x6: {  	[smem:$0x7FF] =	sst s3;
	s8 =	smul.u32 $0x7D00, s5;
	s10 =	ssub.s32 $0x2, s5  }
0x7: {  	s5 =	smul.u32 $0x7D0, s5;
	s4 =	sadd.s32 s4, s7;
	s30 =	sshrl.u32 s10, $0x1  }
0x8: {  	_ =	strace $0x8000004A;
	s7 =	ssub.s32 s10, s30;
	s8 =	sadd.s32 s8, s4  }
0x9: {  	s9 =	sadd.s32 s5, s9;
	s10 =	simm.s32 $0x1;
	s4 =	smax.u32 s7, $0x1  }
0xa: {  	s5 =	sadd.s32 $0x105000, s8;
	s31 =	sshrl.u32 s9, $0x3;
	s7 =	simm.s32 $0x2  }
0xb: {  	s8 =	simm.s32 $0x50;
	s9 =	simm.s32 $0x80;
	s6 =	sadd.s32 s31, s6  }
.LBB2_1:
0xc: {  	s12 =	sadd.s32 $0x0, s6  }
0xd: {  	[tilespmem:s3], [sflag:$0x2] =	stream.linear.gather [hbm4b:s12+s3], $0x50, $0x38;
	[tilespmem:$0x2880] =	vst v63  }
0xe: {  	_ =	swait.ge [sflag:s7], $0x50  }
0xf: {  	[sflag:s7] =	ssyncset.done $0x0  }
0x10: {  	[sflag:s7] =	ssyncadd.s32 $0xFFFFFFB0  }
0x11: {  	[tilespmem:s9], [sflag:$0x1] =	stream.indirect.gather [hbm4b:s1+s8], $0x80, s3, s8, $0xb8;
	[tilespmem:$0x2880] =	vst v63  }
0x12: {  	_ =	swait.ge [sflag:s10], $0x2800  }
0x13: {  	[sflag:s10] =	ssyncset.done $0x0  }
0x14: {  	[sflag:s10] =	ssyncadd.s32 $0xFFFFD800  }
0x15: {  	[hbm4b:s5+s3] =	stream.linear.scatter [tilespmem:s9], [sflag:$0x2], $0x2800, $0x38;
	[tilespmem:$0x2880] =	vst v63  }
0x16: {  	s13 =	simm.s32 $0xA;
	_ =	swait.ge [sflag:s7], $0x2800  }
0x17: {  	s14 =	simm.s32 $0x14;
	s12 =	sadd.s32 $0x500, s5;
	[sflag:s7] =	ssyncset.done $0x0  }
.LBB2_2:
0x18: {  	s15 =	sadd.s32 s13, s6  }
0x19: {  	[sflag:s7] =	ssyncadd.s32 $0xFFFFD800;
	s13 =	smov.u32 s14;
	s16 =	sadd.s32 $0xA, s14  }
0x1a: {  	[tilespmem:s3], [sflag:$0x2] =	stream.linear.gather [hbm4b:s15+s3], $0x50, $0x38;
	[tilespmem:$0x2880] =	vst v63  }
0x1b: {  	p0 =	sne.s32 s14, $0xF0;
	_ =	swait.ge [sflag:s7], $0x50  }
0x1c: {  	[sflag:s7] =	ssyncset.done $0x0  }
0x1d: {  	[sflag:s7] =	ssyncadd.s32 $0xFFFFFFB0  }
0x1e: {  	[tilespmem:s9], [sflag:$0x1] =	stream.indirect.gather [hbm4b:s1+s8], $0x80, s3, s8, $0xb8;
	[tilespmem:$0x2880] =	vst v63  }
0x1f: {  	_ =	swait.ge [sflag:s10], $0x2800  }
.Ltmp0:
0x20: {  	[sflag:s10] =	ssyncset.done $0x0;
	(pc) =	sbr.rel @p0 .LBB2_2-.Ltmp0, $4  }
0x21: {  	[sflag:s10] =	ssyncadd.s32 $0xFFFFD800  }
0x22: {  	[hbm4b:s12+s3] =	stream.linear.scatter [tilespmem:s9], [sflag:$0x2], $0x2800, $0x38;
	[tilespmem:$0x2880] =	vst v63  }
0x23: {  	_ =	swait.ge [sflag:s7], $0x2800  }
0x24: {  	s14 =	smov.u32 s16;
	s12 =	sadd.s32 $0x500, s12;
	[sflag:s7] =	ssyncset.done $0x0  }
0x25: {  	s13 =	sadd.s32 s13, s6;
	[sflag:s7] =	ssyncadd.s32 $0xFFFFD800  }
0x26: {  	[tilespmem:s3], [sflag:$0x2] =	stream.linear.gather [hbm4b:s13+s3], $0x50, $0x38;
	[tilespmem:$0x2880] =	vst v63  }
0x27: {  	_ =	swait.ge [sflag:s7], $0x50  }
0x28: {  	[sflag:s7] =	ssyncset.done $0x0  }
0x29: {  	[sflag:s7] =	ssyncadd.s32 $0xFFFFFFB0  }
0x2a: {  	[tilespmem:s9], [sflag:$0x1] =	stream.indirect.gather [hbm4b:s1+s8], $0x80, s3, s8, $0xb8;
	[tilespmem:$0x2880] =	vst v63  }
0x2b: {  	s11 =	sadd.s32 $0x1, s11;
	_ =	swait.ge [sflag:s10], $0x2800  }
0x2c: {  	p0 =	sne.s32 s11, s4;
	[sflag:s10] =	ssyncset.done $0x0  }
.Ltmp1:
0x2d: {  	[sflag:s10] =	ssyncadd.s32 $0xFFFFD800;
	(pc) =	sbr.rel @p0 .LBB2_1-.Ltmp1, $4  }
0x2e: {  	[hbm4b:s12+s3] =	stream.linear.scatter [tilespmem:s9], [sflag:$0x2], $0x2800, $0x38;
	[tilespmem:$0x2880] =	vst v63  }
0x2f: {  	_ =	swait.ge [sflag:s7], $0x2800  }
0x30: {  	[sflag:s7] =	ssyncset.done $0x0  }
0x31: {  	[sflag:s7] =	ssyncadd.s32 $0xFFFFD800  }
0x32: {  	_ =	sfence.sel $0x180000  }
0x33: {  	[bflag:$0x0] =	sbarrier.arrive $0xFFFF  }
0x34: {  	p0 =	sne.s32 s0, $0x0;
	_ =	strace $0x9000004A  }
0x35: {  	s0 =	sadd.s32 @!p0 $0x100000, s2;
	[bflag:$0x2] =	sbarrier.arrive $0xFFFF  }
0x36: {  	[sflag:s0] =	ssyncadd.tile.s32 @!p0 $0x1;
	_ =	shalt  }
.Lfunc_end2:
_tile_overlayer_lowered:
.L_overlay_start_2:
0x37: {  	(tag) =	ssettag $0x2  }
0x38: {  	s0 =	rddreg [dreg:$0x0];
	s2 =	stileid.u32  }
0x39: {  	s1 =	rddreg [dreg:$0x1];
	p0 =	sne.s32 s2, $0x0  }
0x3a: {  	s3 =	rddreg [dreg:$0x2];
	[bflag:$0x3] =	sbarrier.arrive $0xFFFF;
	s2 =	simm.s32 @!p0 $0x1C02  }
0x3b: {  	[timem:s3], [sflag:s2] =	dma.local @!p0 [hbm:s0], s1  }
0x3c: {  	s0 =	simm.s32 @!p0 $0x2  }
0x3d: {  	_ =	swait.ge @!p0 [sflag:s0], s1  }
0x3e: {  	s1 =	ssub.s32 @!p0 $0x0, s1;
	[sflag:s0] =	ssyncset.done @!p0 $0x0  }
0x3f: {  	[sflag:s0] =	ssyncadd.s32 @!p0 s1  }
0x40: {  	[bflag:$0x3] =	sbarrier.arrive $0xFFFF  }
0x41: {  	_ =	shalt  }

// kernel: kernel.15.cloned.1.call-start
scs
__scs_entry_jumppad:
0x0: {  	(pc) =	sbr.rel $0x88, $3  }
0x1: {  	(tag) =	ssettag $0x0;
	lr =	simm.s32 $0x1  }
0x2: {  	[smem:$0x3F98] =	sst lr;
	_ =	strace $0xD0000000  }
0x3: {  	_ = 	snop  }
0x4: {  	_ = 	snop  }
0x5: {  	_ = 	snop  }
0x6: {  	_ = 	snop  }
0x7: {  	_ = 	snop  }
__scs_overlays_trampoline_lowered:
0x8: {  	[smem:$0x3FA7] =	sst s0  }
0x9: {  	[smem:$0x3FA8] =	sst s1  }
0xa: {  	[smem:$0x3FA9] =	sst s2  }
0xb: {  	[smem:$0x3FAA] =	sst s3  }
0xc: {  	[smem:$0x3FAB] =	sst s4  }
0xd: {  	[smem:$0x3FAC] =	sst s5  }
0xe: {  	[smem:$0x3FAD] =	sst s6  }
0xf: {  	[smem:$0x3FAE] =	sst s7  }
0x10: {  	[smem:$0x3FAF] =	sst s8  }
0x11: {  	[smem:$0x3FB0] =	sst s9;
	s0 =	simm.s32 @!p0 $0x0  }
0x12: {  	s1 =	sld [smem:$0x3F96];
	s0 =	simm.s32 @p0 $0x1  }
0x13: {  	[smem:$0x3FB1] =	sst s0;
	s0 =	simm.s32 @!p1 $0x0  }
0x14: {  	s2 =	sld [smem:$0x3F95];
	s0 =	simm.s32 @p1 $0x1  }
0x15: {  	[smem:$0x3FB2] =	sst s0;
	s0 =	simm.s32 @!p2 $0x0  }
0x16: {  	s3 =	sld [smem:$0x3FDB];
	s0 =	simm.s32 @p2 $0x1  }
0x17: {  	s4 =	simm.s32 $0x1BF5;
	[smem:$0x3FB4] =	sst s0  }
0x18: {  	s0 =	sld [smem:$0x3F97];
	_ =	swait.ge [sflag:s4], $0x0  }
0x19: {  	s7 =	sld [smem:$0x3F98]  }
0x1a: {  	s8 =	sadd.s32 $0xFFFFE003, lr  }
0x1b: {  	s9 =	sadd.s32 $0xFFFFFEF7, lr;
	s5 =	simm.s32 $0xFFFFFFFF;
	p2 =	slt.u32 s8, $0xFFFFF086  }
0x1c: {  	p1 =	slt.u32 s9, $0xF7A;
	s5 =	simm.s32 @!p2 $0x0  }
0x1d: {  	s5 =	simm.s32 @p1 $0x1;
	p0 =	seq.s32 s7, s2  }
0x1e: {  	s7 =	smul.u32 @!p0 $0xF7A, s2;
	p2 =	seq.s32 @!p0 s5, $0x0  }
0x1f: {  	s9 =	smul.u32 $0xF7A, s1;
	s8 =	simm.s32 @!p0 $0x1BF5;
	p2 =	por !p2, p0  }
0x20: {  	[sflag:s8] =	ssyncset.s32 @!p0 $0xFFFFF086;
	s6 =	sadd.s32 @!p0 s3, s7;
	s7 =	simm.s32 @!p0 $0x108  }
0x21: {  	s3 =	sadd.s32 s3, s9;
	s6 =	sadd.s32 @!p0 $0x88, s6;
	s7 =	simm.s32 @p2 $0x1082  }
0x22: {  	[simem:s7], [sflag:s8] =	dma.local @!p0 [hbm:s6], $0xF7A  }
0x23: {  	s9 =	sor.u32 $0xD0000000, s2;
	s6 =	simm.s32 $0x108;
	_ =	swait.ge @!p0 [sflag:s8], $0x0  }
0x24: {  	s3 =	sadd.s32 $0x88, s3;
	s6 =	simm.s32 @!p1 $0x1082;
	[sflag:s4] =	ssyncset.s32 $0xFFFFF086  }
0x25: {  	[simem:s6], [sflag:s4] =	dma.local [hbm:s3], $0xF7A  }
0x26: {  	[smem:$0x3F98] =	sst s1;
	(tag) =	ssettag s2;
	_ =	strace s9  }
0x27: {  	s1 =	sld [smem:$0x3FA8]  }
0x28: {  	s2 =	sld [smem:$0x3FA9]  }
0x29: {  	s4 =	sld [smem:$0x3FAB]  }
0x2a: {  	p0 =	seq.s32 s5, $0x0;
	s5 =	sld [smem:$0x3FAC]  }
0x2b: {  	s6 =	sld [smem:$0x3FAD]  }
0x2c: {  	s7 =	sld [smem:$0x3FAE]  }
0x2d: {  	s3 =	simm.s32 $0x108;
	s8 =	sld [smem:$0x3FAF]  }
0x2e: {  	s3 =	simm.s32 @!p0 $0x1082;
	s9 =	sld [smem:$0x3FB0]  }
0x2f: {  	lr =	sadd.s32 s0, s3;
	s0 =	sld [smem:$0x3FA7]  }
0x30: {  	s3 =	sld [smem:$0x3FAA]  }
0x31: {  	[smem:$0x3FB3] =	sst s10  }
0x32: {  	s10 =	sld [smem:$0x3FB1];
	_ =	sdelay $0x3  }
0x33: {  	p0 =	seq.s32 s10, $0x1;
	s10 =	sld [smem:$0x3FB3];
	_ =	sdelay $0x3  }
0x34: {  	[smem:$0x3FB3] =	sst s10  }
0x35: {  	s10 =	sld [smem:$0x3FB2];
	_ =	sdelay $0x3  }
0x36: {  	p1 =	seq.s32 s10, $0x1;
	s10 =	sld [smem:$0x3FB3];
	_ =	sdelay $0x3  }
0x37: {  	[smem:$0x3FB3] =	sst s10  }
0x38: {  	s10 =	sld [smem:$0x3FB4]  }
0x39: {  	_ = 	snop;
	(pc) =	sbr.ind lr, $3  }
0x3a: {  	_ = 	snop  }
0x3b: {  	_ = 	snop  }
0x3c: {  	p2 =	seq.s32 s10, $0x1;
	s10 =	sld [smem:$0x3FB3]  }
0x3d: {  	_ =	shalt  }
0x3e: {  	_ =	shalt  }
0x3f: {  	_ =	shalt  }
0x40: {  	_ =	shalt  }
0x41: {  	_ =	shalt  }
0x42: {  	_ =	shalt  }
0x43: {  	_ =	shalt  }
0x44: {  	_ =	shalt  }
0x45: {  	_ =	shalt  }
0x46: {  	_ =	shalt  }
0x47: {  	_ =	shalt  }
0x48: {  	_ =	shalt  }
0x49: {  	_ =	shalt  }
0x4a: {  	_ =	shalt  }
0x4b: {  	_ =	shalt  }
0x4c: {  	_ =	shalt  }
0x4d: {  	_ =	shalt  }
0x4e: {  	_ =	shalt  }
0x4f: {  	_ =	shalt  }
0x50: {  	_ =	shalt  }
0x51: {  	_ =	shalt  }
0x52: {  	_ =	shalt  }
0x53: {  	_ =	shalt  }
0x54: {  	_ =	shalt  }
0x55: {  	_ =	shalt  }
0x56: {  	_ =	shalt  }
0x57: {  	_ =	shalt  }
0x58: {  	_ =	shalt  }
0x59: {  	_ =	shalt  }
0x5a: {  	_ =	shalt  }
0x5b: {  	_ =	shalt  }
0x5c: {  	_ =	shalt  }
0x5d: {  	_ =	shalt  }
0x5e: {  	_ =	shalt  }
0x5f: {  	_ =	shalt  }
0x60: {  	_ =	shalt  }
0x61: {  	_ =	shalt  }
0x62: {  	_ =	shalt  }
0x63: {  	_ =	shalt  }
0x64: {  	_ =	shalt  }
0x65: {  	_ =	shalt  }
0x66: {  	_ =	shalt  }
0x67: {  	_ =	shalt  }
0x68: {  	_ =	shalt  }
0x69: {  	_ =	shalt  }
0x6a: {  	_ =	shalt  }
0x6b: {  	_ =	shalt  }
0x6c: {  	_ =	shalt  }
0x6d: {  	_ =	shalt  }
0x6e: {  	_ =	shalt  }
0x6f: {  	_ =	shalt  }
0x70: {  	_ =	shalt  }
0x71: {  	_ =	shalt  }
0x72: {  	_ =	shalt  }
0x73: {  	_ =	shalt  }
0x74: {  	_ =	shalt  }
0x75: {  	_ =	shalt  }
0x76: {  	_ =	shalt  }
0x77: {  	_ =	shalt  }
0x78: {  	_ =	shalt  }
0x79: {  	_ =	shalt  }
0x7a: {  	_ =	shalt  }
0x7b: {  	_ =	shalt  }
0x7c: {  	_ =	shalt  }
0x7d: {  	_ =	shalt  }
0x7e: {  	_ =	shalt  }
0x7f: {  	_ =	shalt  }
0x80: {  	_ =	shalt  }
0x81: {  	_ =	shalt  }
0x82: {  	_ =	shalt  }
0x83: {  	_ =	shalt  }
0x84: {  	_ =	shalt  }
0x85: {  	_ =	shalt  }
0x86: {  	_ =	shalt  }
0x87: {  	_ =	shalt  }
.Lfunc_end0:
.L_simem_size_0:
called_computation.1_lowered:
.L_overlay_start_0:
0x88: {  	s2 =	sld [smem:$0x3FD9]  }
0x89: {  	s3 =	sld [smem:$0x3FFE];
	_ =	sdelay $0x1  }
0x8a: {  	s1 =	srdreg.scid  }
0x8b: {  	s0 =	sand.u32 $0x1, s1  }
0x8c: {  	s17 =	sshll.u32 s0, $0xA;
	s2 =	sadd.s32 s3, s2  }
0x8d: {  	s2 =	sadd.s32 s2, s17  }
0x8e: {  	[smem:$0x3FBF] =	sst s2  }
0x8f: {  	_ = 	snop  }
0x90: {  	s2 =	sld [smem:$0x3FC7];
	(tm) =	ssettm $0x1  }
0x91: {  	s18 =	sld [smem:$0x3FFB];
	_ =	sdelay $0x3  }
0x92: {  	_ =	strace s18  }
0x93: {  	s3 =	sld [smem:$0x3FFC];
	_ =	sdelay $0x3  }
0x94: {  	_ =	strace s3  }
0x95: {  	s3 =	sld [smem:$0x3FFD];
	_ =	sdelay $0x3  }
0x96: {  	_ =	strace s3  }
0x97: {  	_ =	strace $0x8FFFFFFF  }
0x98: {  	s19 =	sld [smem:$0x3FDB];
	_ =	sdelay $0x1  }
0x99: {  	s4 =	simm.s32 $_scs_section_size  }
0x9a: {  	s5 =	simm.s32 $_size__tile_overlayer_lowered;
	s6 =	simm.s32 $_tile_overlayer_lowered  }
0x9b: {  	s22 =	simm.s32 $0x1BFF;
	s21 =	sshll.u32 s6, $0x1;
	s3 =	sadd.s32 s4, s19  }
0x9c: {  	s7 =	simm.s32 $0x0;
	s20 =	sshll.u32 s5, $0x1;
	s5 =	sadd.s32 s21, s3  }
0x9d: {  	[timem:s7], [sflag:s22] =	dma.local [hbm:s5], s20  }
0x9e: {  	_ =	swait.ge [sflag:s22], s20  }
0x9f: {  	s4 =	ssub.s32 $0x0, s20;
	[sflag:s22] =	ssyncset.done $0x0  }
0xa0: {  	[sflag:s22] =	ssyncadd.s32 s4;
	_ =	sdelay $0x1  }
0xa1: {  	s23 =	simm.s32 $0x1B8B  }
0xa2: {  	_ =	swait.ge [sflag:s23], $0x1  }
0xa3: {  	[sflag:s23] =	ssyncset.done $0x0  }
0xa4: {  	s25 =	simm.s32 $0x1B8E;
	s24 =	sld [smem:$0x3FFE];
	[sflag:s23] =	ssyncadd.s32 $0xFFFFFFFF  }
0xa5: {  	s26 =	simm.s32 $execute0_lowered;
	[smem:$0x3FD2] =	sst s25  }
0xa6: {  	s5 =	sshll.u32 s26, $0x1;
	_ =	strace $0x80000046;
	[dreg:$0x1] =	wrdreg $0xFFFFFFFF  }
0xa7: {  	s28 =	simm.s32 $_size_execute0_lowered;
	s3 =	sadd.s32 s3, s5;
	[dreg:$0x0] =	wrdreg $0x0  }
0xa8: {  	s5 =	sshll.u32 s28, $0x1;
	[dreg:$0x2] =	wrdreg s3  }
0xa9: {  	[dreg:$0x3] =	wrdreg s5  }
0xaa: {  	[dreg:$0x4] =	wrdreg $0xC0  }
0xab: {  	_ =	task [dreg:s7], $0x5FFFF  }
0xac: {  	[dreg:$0x1] =	wrdreg $0xFFFFFFFF  }
0xad: {  	[dreg:$0x0] =	wrdreg $0x60  }
0xae: {  	[dreg:$0x2] =	wrdreg s2  }
0xaf: {  	[dreg:$0x3] =	wrdreg s24  }
0xb0: {  	[dreg:$0x4] =	wrdreg $0xA  }
0xb1: {  	_ =	task.clear_ibuf [dreg:s7], $0x5FFFF;
	_ =	strace $0x90000046  }
0xb2: {  	s29 =	simm.s32 $0xA;
	_ =	strace $0x80000048  }
0xb3: {  	_ =	swait.ge [sflag:s29], $0x1  }
0xb4: {  	[sflag:s29] =	ssyncadd.s32 $0xFFFFFFFF  }
0xb5: {  	_ =	strace $0x90000048  }
0xb6: {  	_ =	sfence  }
0xb7: {  	s30 =	sld [smem:$0x0];
	_ =	sdelay $0x2  }
0xb8: {  	s31 =	sshll.u32 s1, $0xD;
	s1 =	sshrl.u32 s1, $0x2  }
0xb9: {  	s3 =	sand.u32 $0x4000, s31;
	s1 =	sadd.s32 s1, s30  }
0xba: {  	s0 =	sor.u32 s3, s0;
	s1 =	sshll.u32 s1, $0x11  }
0xbb: {  	s0 =	sor.u32 s1, s0  }
0xbc: {  	s0 =	sadd.s32 $0x8F2B, s0  }
0xbd: {  	[sflag:s0] =	ssyncadd.remote.s32 $0x1  }
0xbe: {  	_ =	sfence.sel $0xFFFF  }
0xbf: {  	[dreg:$0x0] =	wrdreg $0xFFFFFFFF;
	(pc) =	sbr.abs _section_cstart, $3  }
0xc0: {  	[dreg:$0x1] =	wrdreg $0xFFFFFFFF  }
0xc1: {  	_ =	task.clear_ibuf [dreg:s7], $0x2FFFF;
	_ =	strace $0x9FFFFFFF  }
0xc2: {  	(tm) =	ssettm $0x7FFFFFFF  }
0xc3: {  	_ =	shalt  }
tec
execute0_lowered:
.L_overlay_start_1:
0x0: {  	(tag) =	ssettag $0x1  }
0x1: {  	s2 =	rddreg [dreg:$0x0];
	s1 =	srdreg.scid  }
0x2: {  	s0 =	stileid.u32;
	s4 =	rddreg [dreg:$0x1];
	s3 =	simm.s32 $0x0  }
0x3: {  	s10 =	simm.s32 $0x1;
	s11 =	simm.s32 $0x0;
	s6 =	smul.u32 $0xFA0, s0  }
0x4: {  	s5 =	sand.u32 $0x1, s1;
	s1 =	rddreg [dreg:$0x2];
	s8 =	smul.u32 $0xFA00, s0  }
0x5: {  	[smem:$0x7FF] =	sst s3;
	s7 =	smul.u32 $0x7D0, s5;
	s9 =	ssub.s32 $0x2, s5  }
0x6: {  	_ =	strace $0x80000047;
	s5 =	smul.u32 $0x7D00, s5;
	s31 =	sshrl.u32 s9, $0x1  }
0x7: {  	s30 =	sadd.s32 s8, s4;
	s6 =	sadd.s32 s7, s6;
	s8 =	ssub.s32 s9, s31  }
0x8: {  	s5 =	sadd.s32 s5, s30;
	s7 =	simm.s32 $0x2;
	s6 =	sshrl.u32 s6, $0x3  }
0x9: {  	s9 =	simm.s32 $0x80;
	s5 =	sadd.s32 $0xB000, s5;
	s6 =	sadd.s32 s6, s4  }
0xa: {  	s4 =	smax.u32 s8, $0x1;
	s8 =	simm.s32 $0x50;
	s6 =	sadd.s32 $0x3000, s6  }
.LBB2_1:
0xb: {  	s12 =	sadd.s32 $0x0, s6  }
0xc: {  	[tilespmem:s3], [sflag:$0x2] =	stream.linear.gather [hbm4b:s12+s3], $0x50, $0x38;
	[tilespmem:$0x2880] =	vst v63  }
0xd: {  	_ =	swait.ge [sflag:s7], $0x50  }
0xe: {  	[sflag:s7] =	ssyncset.done $0x0  }
0xf: {  	[sflag:s7] =	ssyncadd.s32 $0xFFFFFFB0  }
0x10: {  	[tilespmem:s9], [sflag:$0x1] =	stream.indirect.gather [hbm4b:s2+s8], $0x80, s3, s8, $0xb8;
	[tilespmem:$0x2880] =	vst v63  }
0x11: {  	_ =	swait.ge [sflag:s10], $0x2800  }
0x12: {  	[sflag:s10] =	ssyncset.done $0x0  }
0x13: {  	[sflag:s10] =	ssyncadd.s32 $0xFFFFD800  }
0x14: {  	[hbm4b:s5+s3] =	stream.linear.scatter [tilespmem:s9], [sflag:$0x2], $0x2800, $0x38;
	[tilespmem:$0x2880] =	vst v63  }
0x15: {  	s13 =	simm.s32 $0xA;
	_ =	swait.ge [sflag:s7], $0x2800  }
0x16: {  	s14 =	simm.s32 $0x14;
	s12 =	sadd.s32 $0x500, s5;
	[sflag:s7] =	ssyncset.done $0x0  }
.LBB2_2:
0x17: {  	s15 =	sadd.s32 s13, s6  }
0x18: {  	[sflag:s7] =	ssyncadd.s32 $0xFFFFD800;
	s13 =	smov.u32 s14;
	s16 =	sadd.s32 $0xA, s14  }
0x19: {  	[tilespmem:s3], [sflag:$0x2] =	stream.linear.gather [hbm4b:s15+s3], $0x50, $0x38;
	[tilespmem:$0x2880] =	vst v63  }
0x1a: {  	p0 =	sne.s32 s14, $0xF0;
	_ =	swait.ge [sflag:s7], $0x50  }
0x1b: {  	[sflag:s7] =	ssyncset.done $0x0  }
0x1c: {  	[sflag:s7] =	ssyncadd.s32 $0xFFFFFFB0  }
0x1d: {  	[tilespmem:s9], [sflag:$0x1] =	stream.indirect.gather [hbm4b:s2+s8], $0x80, s3, s8, $0xb8;
	[tilespmem:$0x2880] =	vst v63  }
0x1e: {  	_ =	swait.ge [sflag:s10], $0x2800  }
.Ltmp0:
0x1f: {  	[sflag:s10] =	ssyncset.done $0x0;
	(pc) =	sbr.rel @p0 .LBB2_2-.Ltmp0, $4  }
0x20: {  	[sflag:s10] =	ssyncadd.s32 $0xFFFFD800  }
0x21: {  	[hbm4b:s12+s3] =	stream.linear.scatter [tilespmem:s9], [sflag:$0x2], $0x2800, $0x38;
	[tilespmem:$0x2880] =	vst v63  }
0x22: {  	_ =	swait.ge [sflag:s7], $0x2800  }
0x23: {  	s14 =	smov.u32 s16;
	s12 =	sadd.s32 $0x500, s12;
	[sflag:s7] =	ssyncset.done $0x0  }
0x24: {  	s13 =	sadd.s32 s13, s6;
	[sflag:s7] =	ssyncadd.s32 $0xFFFFD800  }
0x25: {  	[tilespmem:s3], [sflag:$0x2] =	stream.linear.gather [hbm4b:s13+s3], $0x50, $0x38;
	[tilespmem:$0x2880] =	vst v63  }
0x26: {  	_ =	swait.ge [sflag:s7], $0x50  }
0x27: {  	[sflag:s7] =	ssyncset.done $0x0  }
0x28: {  	[sflag:s7] =	ssyncadd.s32 $0xFFFFFFB0  }
0x29: {  	[tilespmem:s9], [sflag:$0x1] =	stream.indirect.gather [hbm4b:s2+s8], $0x80, s3, s8, $0xb8;
	[tilespmem:$0x2880] =	vst v63  }
0x2a: {  	s11 =	sadd.s32 $0x1, s11;
	_ =	swait.ge [sflag:s10], $0x2800  }
0x2b: {  	p0 =	sne.s32 s11, s4;
	[sflag:s10] =	ssyncset.done $0x0  }
.Ltmp1:
0x2c: {  	[sflag:s10] =	ssyncadd.s32 $0xFFFFD800;
	(pc) =	sbr.rel @p0 .LBB2_1-.Ltmp1, $4  }
0x2d: {  	[hbm4b:s12+s3] =	stream.linear.scatter [tilespmem:s9], [sflag:$0x2], $0x2800, $0x38;
	[tilespmem:$0x2880] =	vst v63  }
0x2e: {  	_ =	swait.ge [sflag:s7], $0x2800  }
0x2f: {  	[sflag:s7] =	ssyncset.done $0x0  }
0x30: {  	[sflag:s7] =	ssyncadd.s32 $0xFFFFD800  }
0x31: {  	_ =	sfence.sel $0x180000  }
0x32: {  	[bflag:$0x0] =	sbarrier.arrive $0xFFFF  }
0x33: {  	p0 =	sne.s32 s0, $0x0;
	_ =	strace $0x90000047  }
0x34: {  	s0 =	sadd.s32 @!p0 $0x100000, s1;
	[bflag:$0x2] =	sbarrier.arrive $0xFFFF  }
0x35: {  	[sflag:s0] =	ssyncadd.tile.s32 @!p0 $0x1;
	_ =	shalt  }
.Lfunc_end2:
_tile_overlayer_lowered:
.L_overlay_start_2:
0x36: {  	(tag) =	ssettag $0x2  }
0x37: {  	s0 =	rddreg [dreg:$0x0];
	s2 =	stileid.u32  }
0x38: {  	s1 =	rddreg [dreg:$0x1];
	p0 =	sne.s32 s2, $0x0  }
0x39: {  	s3 =	rddreg [dreg:$0x2];
	[bflag:$0x3] =	sbarrier.arrive $0xFFFF;
	s2 =	simm.s32 @!p0 $0x1C02  }
0x3a: {  	[timem:s3], [sflag:s2] =	dma.local @!p0 [hbm:s0], s1  }
0x3b: {  	s0 =	simm.s32 @!p0 $0x2  }
0x3c: {  	_ =	swait.ge @!p0 [sflag:s0], s1  }
0x3d: {  	s1 =	ssub.s32 @!p0 $0x0, s1;
	[sflag:s0] =	ssyncset.done @!p0 $0x0  }
0x3e: {  	[sflag:s0] =	ssyncadd.s32 @!p0 s1  }
0x3f: {  	[bflag:$0x3] =	sbarrier.arrive $0xFFFF  }
0x40: {  	_ =	shalt  }

// kernel: kernel.18.cloned.1.call-start
scs
__scs_entry_jumppad:
0x0: {  	(pc) =	sbr.rel $0x88, $3  }
0x1: {  	(tag) =	ssettag $0x0;
	lr =	simm.s32 $0x1  }
0x2: {  	[smem:$0x3F98] =	sst lr;
	_ =	strace $0xD0000000  }
0x3: {  	_ = 	snop  }
0x4: {  	_ = 	snop  }
0x5: {  	_ = 	snop  }
0x6: {  	_ = 	snop  }
0x7: {  	_ = 	snop  }
__scs_overlays_trampoline_lowered:
0x8: {  	[smem:$0x3FA7] =	sst s0  }
0x9: {  	[smem:$0x3FA8] =	sst s1  }
0xa: {  	[smem:$0x3FA9] =	sst s2  }
0xb: {  	[smem:$0x3FAA] =	sst s3  }
0xc: {  	[smem:$0x3FAB] =	sst s4  }
0xd: {  	[smem:$0x3FAC] =	sst s5  }
0xe: {  	[smem:$0x3FAD] =	sst s6  }
0xf: {  	[smem:$0x3FAE] =	sst s7  }
0x10: {  	[smem:$0x3FAF] =	sst s8  }
0x11: {  	[smem:$0x3FB0] =	sst s9;
	s0 =	simm.s32 @!p0 $0x0  }
0x12: {  	s1 =	sld [smem:$0x3F96];
	s0 =	simm.s32 @p0 $0x1  }
0x13: {  	[smem:$0x3FB1] =	sst s0;
	s0 =	simm.s32 @!p1 $0x0  }
0x14: {  	s2 =	sld [smem:$0x3F95];
	s0 =	simm.s32 @p1 $0x1  }
0x15: {  	[smem:$0x3FB2] =	sst s0;
	s0 =	simm.s32 @!p2 $0x0  }
0x16: {  	s3 =	sld [smem:$0x3FDB];
	s0 =	simm.s32 @p2 $0x1  }
0x17: {  	s4 =	simm.s32 $0x1BF5;
	[smem:$0x3FB4] =	sst s0  }
0x18: {  	s0 =	sld [smem:$0x3F97];
	_ =	swait.ge [sflag:s4], $0x0  }
0x19: {  	s7 =	sld [smem:$0x3F98]  }
0x1a: {  	s8 =	sadd.s32 $0xFFFFE003, lr  }
0x1b: {  	s9 =	sadd.s32 $0xFFFFFEF7, lr;
	s5 =	simm.s32 $0xFFFFFFFF;
	p2 =	slt.u32 s8, $0xFFFFF086  }
0x1c: {  	p1 =	slt.u32 s9, $0xF7A;
	s5 =	simm.s32 @!p2 $0x0  }
0x1d: {  	s5 =	simm.s32 @p1 $0x1;
	p0 =	seq.s32 s7, s2  }
0x1e: {  	s7 =	smul.u32 @!p0 $0xF7A, s2;
	p2 =	seq.s32 @!p0 s5, $0x0  }
0x1f: {  	s9 =	smul.u32 $0xF7A, s1;
	s8 =	simm.s32 @!p0 $0x1BF5;
	p2 =	por !p2, p0  }
0x20: {  	[sflag:s8] =	ssyncset.s32 @!p0 $0xFFFFF086;
	s6 =	sadd.s32 @!p0 s3, s7;
	s7 =	simm.s32 @!p0 $0x108  }
0x21: {  	s3 =	sadd.s32 s3, s9;
	s6 =	sadd.s32 @!p0 $0x88, s6;
	s7 =	simm.s32 @p2 $0x1082  }
0x22: {  	[simem:s7], [sflag:s8] =	dma.local @!p0 [hbm:s6], $0xF7A  }
0x23: {  	s9 =	sor.u32 $0xD0000000, s2;
	s6 =	simm.s32 $0x108;
	_ =	swait.ge @!p0 [sflag:s8], $0x0  }
0x24: {  	s3 =	sadd.s32 $0x88, s3;
	s6 =	simm.s32 @!p1 $0x1082;
	[sflag:s4] =	ssyncset.s32 $0xFFFFF086  }
0x25: {  	[simem:s6], [sflag:s4] =	dma.local [hbm:s3], $0xF7A  }
0x26: {  	[smem:$0x3F98] =	sst s1;
	(tag) =	ssettag s2;
	_ =	strace s9  }
0x27: {  	s1 =	sld [smem:$0x3FA8]  }
0x28: {  	s2 =	sld [smem:$0x3FA9]  }
0x29: {  	s4 =	sld [smem:$0x3FAB]  }
0x2a: {  	p0 =	seq.s32 s5, $0x0;
	s5 =	sld [smem:$0x3FAC]  }
0x2b: {  	s6 =	sld [smem:$0x3FAD]  }
0x2c: {  	s7 =	sld [smem:$0x3FAE]  }
0x2d: {  	s3 =	simm.s32 $0x108;
	s8 =	sld [smem:$0x3FAF]  }
0x2e: {  	s3 =	simm.s32 @!p0 $0x1082;
	s9 =	sld [smem:$0x3FB0]  }
0x2f: {  	lr =	sadd.s32 s0, s3;
	s0 =	sld [smem:$0x3FA7]  }
0x30: {  	s3 =	sld [smem:$0x3FAA]  }
0x31: {  	[smem:$0x3FB3] =	sst s10  }
0x32: {  	s10 =	sld [smem:$0x3FB1];
	_ =	sdelay $0x3  }
0x33: {  	p0 =	seq.s32 s10, $0x1;
	s10 =	sld [smem:$0x3FB3];
	_ =	sdelay $0x3  }
0x34: {  	[smem:$0x3FB3] =	sst s10  }
0x35: {  	s10 =	sld [smem:$0x3FB2];
	_ =	sdelay $0x3  }
0x36: {  	p1 =	seq.s32 s10, $0x1;
	s10 =	sld [smem:$0x3FB3];
	_ =	sdelay $0x3  }
0x37: {  	[smem:$0x3FB3] =	sst s10  }
0x38: {  	s10 =	sld [smem:$0x3FB4]  }
0x39: {  	_ = 	snop;
	(pc) =	sbr.ind lr, $3  }
0x3a: {  	_ = 	snop  }
0x3b: {  	_ = 	snop  }
0x3c: {  	p2 =	seq.s32 s10, $0x1;
	s10 =	sld [smem:$0x3FB3]  }
0x3d: {  	_ =	shalt  }
0x3e: {  	_ =	shalt  }
0x3f: {  	_ =	shalt  }
0x40: {  	_ =	shalt  }
0x41: {  	_ =	shalt  }
0x42: {  	_ =	shalt  }
0x43: {  	_ =	shalt  }
0x44: {  	_ =	shalt  }
0x45: {  	_ =	shalt  }
0x46: {  	_ =	shalt  }
0x47: {  	_ =	shalt  }
0x48: {  	_ =	shalt  }
0x49: {  	_ =	shalt  }
0x4a: {  	_ =	shalt  }
0x4b: {  	_ =	shalt  }
0x4c: {  	_ =	shalt  }
0x4d: {  	_ =	shalt  }
0x4e: {  	_ =	shalt  }
0x4f: {  	_ =	shalt  }
0x50: {  	_ =	shalt  }
0x51: {  	_ =	shalt  }
0x52: {  	_ =	shalt  }
0x53: {  	_ =	shalt  }
0x54: {  	_ =	shalt  }
0x55: {  	_ =	shalt  }
0x56: {  	_ =	shalt  }
0x57: {  	_ =	shalt  }
0x58: {  	_ =	shalt  }
0x59: {  	_ =	shalt  }
0x5a: {  	_ =	shalt  }
0x5b: {  	_ =	shalt  }
0x5c: {  	_ =	shalt  }
0x5d: {  	_ =	shalt  }
0x5e: {  	_ =	shalt  }
0x5f: {  	_ =	shalt  }
0x60: {  	_ =	shalt  }
0x61: {  	_ =	shalt  }
0x62: {  	_ =	shalt  }
0x63: {  	_ =	shalt  }
0x64: {  	_ =	shalt  }
0x65: {  	_ =	shalt  }
0x66: {  	_ =	shalt  }
0x67: {  	_ =	shalt  }
0x68: {  	_ =	shalt  }
0x69: {  	_ =	shalt  }
0x6a: {  	_ =	shalt  }
0x6b: {  	_ =	shalt  }
0x6c: {  	_ =	shalt  }
0x6d: {  	_ =	shalt  }
0x6e: {  	_ =	shalt  }
0x6f: {  	_ =	shalt  }
0x70: {  	_ =	shalt  }
0x71: {  	_ =	shalt  }
0x72: {  	_ =	shalt  }
0x73: {  	_ =	shalt  }
0x74: {  	_ =	shalt  }
0x75: {  	_ =	shalt  }
0x76: {  	_ =	shalt  }
0x77: {  	_ =	shalt  }
0x78: {  	_ =	shalt  }
0x79: {  	_ =	shalt  }
0x7a: {  	_ =	shalt  }
0x7b: {  	_ =	shalt  }
0x7c: {  	_ =	shalt  }
0x7d: {  	_ =	shalt  }
0x7e: {  	_ =	shalt  }
0x7f: {  	_ =	shalt  }
0x80: {  	_ =	shalt  }
0x81: {  	_ =	shalt  }
0x82: {  	_ =	shalt  }
0x83: {  	_ =	shalt  }
0x84: {  	_ =	shalt  }
0x85: {  	_ =	shalt  }
0x86: {  	_ =	shalt  }
0x87: {  	_ =	shalt  }
.Lfunc_end0:
.L_simem_size_0:
called_computation.2_lowered:
.L_overlay_start_0:
0x88: {  	s2 =	sld [smem:$0x3FD9]  }
0x89: {  	s3 =	sld [smem:$0x3FFE];
	_ =	sdelay $0x1  }
0x8a: {  	s1 =	srdreg.scid  }
0x8b: {  	s0 =	sand.u32 $0x1, s1  }
0x8c: {  	s17 =	sshll.u32 s0, $0xA;
	s2 =	sadd.s32 s3, s2  }
0x8d: {  	s2 =	sadd.s32 s2, s17  }
0x8e: {  	[smem:$0x3FBF] =	sst s2  }
0x8f: {  	_ = 	snop  }
0x90: {  	s18 =	sld [smem:$0x3FC7];
	(tm) =	ssettm $0x1  }
0x91: {  	s19 =	sld [smem:$0x3FFB];
	_ =	sdelay $0x3  }
0x92: {  	_ =	strace s19  }
0x93: {  	s2 =	sld [smem:$0x3FFC];
	_ =	sdelay $0x3  }
0x94: {  	_ =	strace s2  }
0x95: {  	s2 =	sld [smem:$0x3FFD];
	_ =	sdelay $0x3  }
0x96: {  	_ =	strace s2  }
0x97: {  	_ =	strace $0x8FFFFFFF  }
0x98: {  	s20 =	sld [smem:$0x3FDB];
	_ =	sdelay $0x1  }
0x99: {  	s4 =	simm.s32 $_scs_section_size  }
0x9a: {  	s5 =	simm.s32 $_size__tile_overlayer_lowered;
	s6 =	simm.s32 $_tile_overlayer_lowered  }
0x9b: {  	s7 =	simm.s32 $0x1BFF;
	s21 =	sshll.u32 s6, $0x1;
	s4 =	sadd.s32 s4, s20  }
0x9c: {  	s22 =	simm.s32 $0x0;
	s5 =	sshll.u32 s5, $0x1;
	s6 =	sadd.s32 s21, s4  }
0x9d: {  	[timem:s22], [sflag:s7] =	dma.local [hbm:s6], s5  }
0x9e: {  	_ =	swait.ge [sflag:s7], s5  }
0x9f: {  	s5 =	ssub.s32 $0x0, s5;
	[sflag:s7] =	ssyncset.done $0x0  }
0xa0: {  	[sflag:s7] =	ssyncadd.s32 s5;
	_ =	sdelay $0x1  }
0xa1: {  	s23 =	simm.s32 $0x1B8B  }
0xa2: {  	_ =	swait.ge [sflag:s23], $0x1  }
0xa3: {  	[sflag:s23] =	ssyncset.done $0x0  }
0xa4: {  	[sflag:s23] =	ssyncadd.s32 $0xFFFFFFFF  }
0xa5: {  	s5 =	sld [smem:$0x0]  }
0xa6: {  	s6 =	sand.u32 $0xFFFFFFFE, s1  }
0xa7: {  	p0 =	sne.s32 s1, s6  }
0xa8: {  	s6 =	sshll.u32 @p0 s6, $0xE  }
0xa9: {  	s6 =	sadd.s32 @p0 $0x11B8D, s6;
	s7 =	sshll.u32 @p0 s5, $0x11  }
0xaa: {  	s6 =	sor.u32 @p0 s7, s6  }
0xab: {  	[sflag:s6] =	ssyncadd.remote.s32 @p0 $0x1;
	_ =	sdelay $0x1  }
0xac: {  	s6 =	simm.s32 @p0 $0x1B8D  }
0xad: {  	_ =	swait.eq @p0 [sflag:s6], $0x1  }
0xae: {  	[sflag:s6] =	ssyncadd.s32 @p0 $0xFFFFFFFF  }
0xaf: {  	s7 =	sshll.u32 @!p0 s1, $0xE  }
0xb0: {  	s7 =	sor.u32 @!p0 $0x4000, s7;
	s6 =	simm.s32 @!p0 $0x1B8D  }
0xb1: {  	s5 =	sshll.u32 @!p0 s5, $0x11;
	s7 =	sadd.s32 @!p0 $0x11B8D, s7;
	_ =	swait.eq @!p0 [sflag:s6], $0x1  }
0xb2: {  	s5 =	sor.u32 @!p0 s5, s7;
	[sflag:s6] =	ssyncadd.s32 @!p0 $0xFFFFFFFF  }
0xb3: {  	s25 =	simm.s32 $0x1B8E;
	s24 =	sld [smem:$0x3FFE];
	[sflag:s5] =	ssyncadd.remote.s32 @!p0 $0x1  }
0xb4: {  	s26 =	simm.s32 $execute0_lowered;
	[smem:$0x3FD2] =	sst s25  }
0xb5: {  	s6 =	sshll.u32 s26, $0x1;
	_ =	strace $0x8000004C;
	[dreg:$0x1] =	wrdreg $0xFFFFFFFF  }
0xb6: {  	s28 =	simm.s32 $_size_execute0_lowered;
	s4 =	sadd.s32 s4, s6;
	[dreg:$0x0] =	wrdreg $0x0  }
0xb7: {  	s6 =	sshll.u32 s28, $0x1;
	[dreg:$0x2] =	wrdreg s4  }
0xb8: {  	[dreg:$0x3] =	wrdreg s6  }
0xb9: {  	[dreg:$0x4] =	wrdreg $0xC0  }
0xba: {  	_ =	task [dreg:s22], $0x5FFFF  }
0xbb: {  	[dreg:$0x1] =	wrdreg $0xFFFFFFFF  }
0xbc: {  	[dreg:$0x0] =	wrdreg $0x60  }
0xbd: {  	[dreg:$0x2] =	wrdreg s18  }
0xbe: {  	[dreg:$0x3] =	wrdreg s24  }
0xbf: {  	[dreg:$0x4] =	wrdreg $0xB  }
0xc0: {  	_ =	task.clear_ibuf [dreg:s22], $0x5FFFF;
	_ =	strace $0x9000004C  }
0xc1: {  	s29 =	simm.s32 $0xB;
	_ =	strace $0x8000004E  }
0xc2: {  	_ =	swait.ge [sflag:s29], $0x1  }
0xc3: {  	[sflag:s29] =	ssyncadd.s32 $0xFFFFFFFF  }
0xc4: {  	_ =	strace $0x9000004E  }
0xc5: {  	_ =	sfence  }
0xc6: {  	s30 =	sld [smem:$0x0];
	_ =	sdelay $0x2  }
0xc7: {  	s31 =	sshll.u32 s1, $0xD;
	s1 =	sshrl.u32 s1, $0x2  }
0xc8: {  	s4 =	sand.u32 $0x4000, s31;
	s1 =	sadd.s32 s1, s30  }
0xc9: {  	s0 =	sor.u32 s4, s0;
	s1 =	sshll.u32 s1, $0x11  }
0xca: {  	s0 =	sor.u32 s1, s0  }
0xcb: {  	s0 =	sadd.s32 $0x8F2B, s0  }
0xcc: {  	[sflag:s0] =	ssyncadd.remote.s32 $0x1  }
0xcd: {  	_ =	sfence.sel $0xFFFF  }
0xce: {  	[dreg:$0x0] =	wrdreg $0xFFFFFFFF;
	(pc) =	sbr.abs _section_cstart, $3  }
0xcf: {  	[dreg:$0x1] =	wrdreg $0xFFFFFFFF  }
0xd0: {  	_ =	task.clear_ibuf [dreg:s22], $0x2FFFF;
	_ =	strace $0x9FFFFFFF  }
0xd1: {  	(tm) =	ssettm $0x7FFFFFFF  }
tec
execute0_lowered:
.L_overlay_start_1:
0x0: {  	(tag) =	ssettag $0x1  }
0x1: {  	s2 =	rddreg [dreg:$0x0];
	s1 =	srdreg.scid  }
0x2: {  	s0 =	stileid.u32;
	s4 =	rddreg [dreg:$0x1];
	s3 =	simm.s32 $0x0  }
0x3: {  	s10 =	simm.s32 $0x1;
	s11 =	simm.s32 $0x0;
	s6 =	smul.u32 $0xFA0, s0  }
0x4: {  	s5 =	sand.u32 $0x1, s1;
	s1 =	rddreg [dreg:$0x2];
	s8 =	smul.u32 $0xFA00, s0  }
0x5: {  	[smem:$0x7FF] =	sst s3;
	s7 =	smul.u32 $0x7D0, s5;
	s9 =	ssub.s32 $0x2, s5  }
0x6: {  	_ =	strace $0x8000004D;
	s5 =	smul.u32 $0x7D00, s5;
	s31 =	sshrl.u32 s9, $0x1  }
0x7: {  	s30 =	sadd.s32 s8, s4;
	s6 =	sadd.s32 s7, s6;
	s8 =	ssub.s32 s9, s31  }
0x8: {  	s5 =	sadd.s32 s5, s30;
	s7 =	simm.s32 $0x2;
	s6 =	sshrl.u32 s6, $0x3  }
0x9: {  	s9 =	simm.s32 $0x80;
	s5 =	sadd.s32 $0x1FF000, s5;
	s6 =	sadd.s32 s6, s4  }
0xa: {  	s4 =	smax.u32 s8, $0x1;
	s8 =	simm.s32 $0x50;
	s6 =	sadd.s32 $0x5000, s6  }
.LBB2_1:
0xb: {  	s12 =	sadd.s32 $0x0, s6  }
0xc: {  	[tilespmem:s3], [sflag:$0x2] =	stream.linear.gather [hbm4b:s12+s3], $0x50, $0x38;
	[tilespmem:$0x2880] =	vst v63  }
0xd: {  	_ =	swait.ge [sflag:s7], $0x50  }
0xe: {  	[sflag:s7] =	ssyncset.done $0x0  }
0xf: {  	[sflag:s7] =	ssyncadd.s32 $0xFFFFFFB0  }
0x10: {  	[tilespmem:s9], [sflag:$0x1] =	stream.indirect.gather [hbm4b:s2+s8], $0x80, s3, s8, $0xb8;
	[tilespmem:$0x2880] =	vst v63  }
0x11: {  	_ =	swait.ge [sflag:s10], $0x2800  }
0x12: {  	[sflag:s10] =	ssyncset.done $0x0  }
0x13: {  	[sflag:s10] =	ssyncadd.s32 $0xFFFFD800  }
0x14: {  	[hbm4b:s5+s3] =	stream.linear.scatter [tilespmem:s9], [sflag:$0x2], $0x2800, $0x38;
	[tilespmem:$0x2880] =	vst v63  }
0x15: {  	s13 =	simm.s32 $0xA;
	_ =	swait.ge [sflag:s7], $0x2800  }
0x16: {  	s14 =	simm.s32 $0x14;
	s12 =	sadd.s32 $0x500, s5;
	[sflag:s7] =	ssyncset.done $0x0  }
.LBB2_2:
0x17: {  	s15 =	sadd.s32 s13, s6  }
0x18: {  	[sflag:s7] =	ssyncadd.s32 $0xFFFFD800;
	s13 =	smov.u32 s14;
	s16 =	sadd.s32 $0xA, s14  }
0x19: {  	[tilespmem:s3], [sflag:$0x2] =	stream.linear.gather [hbm4b:s15+s3], $0x50, $0x38;
	[tilespmem:$0x2880] =	vst v63  }
0x1a: {  	p0 =	sne.s32 s14, $0xF0;
	_ =	swait.ge [sflag:s7], $0x50  }
0x1b: {  	[sflag:s7] =	ssyncset.done $0x0  }
0x1c: {  	[sflag:s7] =	ssyncadd.s32 $0xFFFFFFB0  }
0x1d: {  	[tilespmem:s9], [sflag:$0x1] =	stream.indirect.gather [hbm4b:s2+s8], $0x80, s3, s8, $0xb8;
	[tilespmem:$0x2880] =	vst v63  }
0x1e: {  	_ =	swait.ge [sflag:s10], $0x2800  }
.Ltmp0:
0x1f: {  	[sflag:s10] =	ssyncset.done $0x0;
	(pc) =	sbr.rel @p0 .LBB2_2-.Ltmp0, $4  }
0x20: {  	[sflag:s10] =	ssyncadd.s32 $0xFFFFD800  }
0x21: {  	[hbm4b:s12+s3] =	stream.linear.scatter [tilespmem:s9], [sflag:$0x2], $0x2800, $0x38;
	[tilespmem:$0x2880] =	vst v63  }
0x22: {  	_ =	swait.ge [sflag:s7], $0x2800  }
0x23: {  	s14 =	smov.u32 s16;
	s12 =	sadd.s32 $0x500, s12;
	[sflag:s7] =	ssyncset.done $0x0  }
0x24: {  	s13 =	sadd.s32 s13, s6;
	[sflag:s7] =	ssyncadd.s32 $0xFFFFD800  }
0x25: {  	[tilespmem:s3], [sflag:$0x2] =	stream.linear.gather [hbm4b:s13+s3], $0x50, $0x38;
	[tilespmem:$0x2880] =	vst v63  }
0x26: {  	_ =	swait.ge [sflag:s7], $0x50  }
0x27: {  	[sflag:s7] =	ssyncset.done $0x0  }
0x28: {  	[sflag:s7] =	ssyncadd.s32 $0xFFFFFFB0  }
0x29: {  	[tilespmem:s9], [sflag:$0x1] =	stream.indirect.gather [hbm4b:s2+s8], $0x80, s3, s8, $0xb8;
	[tilespmem:$0x2880] =	vst v63  }
0x2a: {  	s11 =	sadd.s32 $0x1, s11;
	_ =	swait.ge [sflag:s10], $0x2800  }
0x2b: {  	p0 =	sne.s32 s11, s4;
	[sflag:s10] =	ssyncset.done $0x0  }
.Ltmp1:
0x2c: {  	[sflag:s10] =	ssyncadd.s32 $0xFFFFD800;
	(pc) =	sbr.rel @p0 .LBB2_1-.Ltmp1, $4  }
0x2d: {  	[hbm4b:s12+s3] =	stream.linear.scatter [tilespmem:s9], [sflag:$0x2], $0x2800, $0x38;
	[tilespmem:$0x2880] =	vst v63  }
0x2e: {  	_ =	swait.ge [sflag:s7], $0x2800  }
0x2f: {  	[sflag:s7] =	ssyncset.done $0x0  }
0x30: {  	[sflag:s7] =	ssyncadd.s32 $0xFFFFD800  }
0x31: {  	_ =	sfence.sel $0x180000  }
0x32: {  	[bflag:$0x0] =	sbarrier.arrive $0xFFFF  }
0x33: {  	p0 =	sne.s32 s0, $0x0;
	_ =	strace $0x9000004D  }
0x34: {  	s0 =	sadd.s32 @!p0 $0x100000, s1;
	[bflag:$0x2] =	sbarrier.arrive $0xFFFF  }
0x35: {  	[sflag:s0] =	ssyncadd.tile.s32 @!p0 $0x1;
	_ =	shalt  }
.Lfunc_end2:
_tile_overlayer_lowered:
.L_overlay_start_2:
0x36: {  	(tag) =	ssettag $0x2  }
0x37: {  	s0 =	rddreg [dreg:$0x0];
	s2 =	stileid.u32  }
0x38: {  	s1 =	rddreg [dreg:$0x1];
	p0 =	sne.s32 s2, $0x0  }
0x39: {  	s3 =	rddreg [dreg:$0x2];
	[bflag:$0x3] =	sbarrier.arrive $0xFFFF;
	s2 =	simm.s32 @!p0 $0x1C02  }
0x3a: {  	[timem:s3], [sflag:s2] =	dma.local @!p0 [hbm:s0], s1  }
0x3b: {  	s0 =	simm.s32 @!p0 $0x2  }
0x3c: {  	_ =	swait.ge @!p0 [sflag:s0], s1  }
0x3d: {  	s1 =	ssub.s32 @!p0 $0x0, s1;
	[sflag:s0] =	ssyncset.done @!p0 $0x0  }
0x3e: {  	[sflag:s0] =	ssyncadd.s32 @!p0 s1  }
0x3f: {  	[bflag:$0x3] =	sbarrier.arrive $0xFFFF  }
0x40: {  	_ =	shalt  }

// kernel: kernel.21.cloned.1.call-start
scs
__scs_entry_jumppad:
0x0: {  	(pc) =	sbr.rel $0x88, $3  }
0x1: {  	(tag) =	ssettag $0x0;
	lr =	simm.s32 $0x1  }
0x2: {  	[smem:$0x3F98] =	sst lr;
	_ =	strace $0xD0000000  }
0x3: {  	_ = 	snop  }
0x4: {  	_ = 	snop  }
0x5: {  	_ = 	snop  }
0x6: {  	_ = 	snop  }
0x7: {  	_ = 	snop  }
__scs_overlays_trampoline_lowered:
0x8: {  	[smem:$0x3FA7] =	sst s0  }
0x9: {  	[smem:$0x3FA8] =	sst s1  }
0xa: {  	[smem:$0x3FA9] =	sst s2  }
0xb: {  	[smem:$0x3FAA] =	sst s3  }
0xc: {  	[smem:$0x3FAB] =	sst s4  }
0xd: {  	[smem:$0x3FAC] =	sst s5  }
0xe: {  	[smem:$0x3FAD] =	sst s6  }
0xf: {  	[smem:$0x3FAE] =	sst s7  }
0x10: {  	[smem:$0x3FAF] =	sst s8  }
0x11: {  	[smem:$0x3FB0] =	sst s9;
	s0 =	simm.s32 @!p0 $0x0  }
0x12: {  	s1 =	sld [smem:$0x3F96];
	s0 =	simm.s32 @p0 $0x1  }
0x13: {  	[smem:$0x3FB1] =	sst s0;
	s0 =	simm.s32 @!p1 $0x0  }
0x14: {  	s2 =	sld [smem:$0x3F95];
	s0 =	simm.s32 @p1 $0x1  }
0x15: {  	[smem:$0x3FB2] =	sst s0;
	s0 =	simm.s32 @!p2 $0x0  }
0x16: {  	s3 =	sld [smem:$0x3FDB];
	s0 =	simm.s32 @p2 $0x1  }
0x17: {  	s4 =	simm.s32 $0x1BF5;
	[smem:$0x3FB4] =	sst s0  }
0x18: {  	s0 =	sld [smem:$0x3F97];
	_ =	swait.ge [sflag:s4], $0x0  }
0x19: {  	s7 =	sld [smem:$0x3F98]  }
0x1a: {  	s8 =	sadd.s32 $0xFFFFE003, lr  }
0x1b: {  	s9 =	sadd.s32 $0xFFFFFEF7, lr;
	s5 =	simm.s32 $0xFFFFFFFF;
	p2 =	slt.u32 s8, $0xFFFFF086  }
0x1c: {  	p1 =	slt.u32 s9, $0xF7A;
	s5 =	simm.s32 @!p2 $0x0  }
0x1d: {  	s5 =	simm.s32 @p1 $0x1;
	p0 =	seq.s32 s7, s2  }
0x1e: {  	s7 =	smul.u32 @!p0 $0xF7A, s2;
	p2 =	seq.s32 @!p0 s5, $0x0  }
0x1f: {  	s9 =	smul.u32 $0xF7A, s1;
	s8 =	simm.s32 @!p0 $0x1BF5;
	p2 =	por !p2, p0  }
0x20: {  	[sflag:s8] =	ssyncset.s32 @!p0 $0xFFFFF086;
	s6 =	sadd.s32 @!p0 s3, s7;
	s7 =	simm.s32 @!p0 $0x108  }
0x21: {  	s3 =	sadd.s32 s3, s9;
	s6 =	sadd.s32 @!p0 $0x88, s6;
	s7 =	simm.s32 @p2 $0x1082  }
0x22: {  	[simem:s7], [sflag:s8] =	dma.local @!p0 [hbm:s6], $0xF7A  }
0x23: {  	s9 =	sor.u32 $0xD0000000, s2;
	s6 =	simm.s32 $0x108;
	_ =	swait.ge @!p0 [sflag:s8], $0x0  }
0x24: {  	s3 =	sadd.s32 $0x88, s3;
	s6 =	simm.s32 @!p1 $0x1082;
	[sflag:s4] =	ssyncset.s32 $0xFFFFF086  }
0x25: {  	[simem:s6], [sflag:s4] =	dma.local [hbm:s3], $0xF7A  }
0x26: {  	[smem:$0x3F98] =	sst s1;
	(tag) =	ssettag s2;
	_ =	strace s9  }
0x27: {  	s1 =	sld [smem:$0x3FA8]  }
0x28: {  	s2 =	sld [smem:$0x3FA9]  }
0x29: {  	s4 =	sld [smem:$0x3FAB]  }
0x2a: {  	p0 =	seq.s32 s5, $0x0;
	s5 =	sld [smem:$0x3FAC]  }
0x2b: {  	s6 =	sld [smem:$0x3FAD]  }
0x2c: {  	s7 =	sld [smem:$0x3FAE]  }
0x2d: {  	s3 =	simm.s32 $0x108;
	s8 =	sld [smem:$0x3FAF]  }
0x2e: {  	s3 =	simm.s32 @!p0 $0x1082;
	s9 =	sld [smem:$0x3FB0]  }
0x2f: {  	lr =	sadd.s32 s0, s3;
	s0 =	sld [smem:$0x3FA7]  }
0x30: {  	s3 =	sld [smem:$0x3FAA]  }
0x31: {  	[smem:$0x3FB3] =	sst s10  }
0x32: {  	s10 =	sld [smem:$0x3FB1];
	_ =	sdelay $0x3  }
0x33: {  	p0 =	seq.s32 s10, $0x1;
	s10 =	sld [smem:$0x3FB3];
	_ =	sdelay $0x3  }
0x34: {  	[smem:$0x3FB3] =	sst s10  }
0x35: {  	s10 =	sld [smem:$0x3FB2];
	_ =	sdelay $0x3  }
0x36: {  	p1 =	seq.s32 s10, $0x1;
	s10 =	sld [smem:$0x3FB3];
	_ =	sdelay $0x3  }
0x37: {  	[smem:$0x3FB3] =	sst s10  }
0x38: {  	s10 =	sld [smem:$0x3FB4]  }
0x39: {  	_ = 	snop;
	(pc) =	sbr.ind lr, $3  }
0x3a: {  	_ = 	snop  }
0x3b: {  	_ = 	snop  }
0x3c: {  	p2 =	seq.s32 s10, $0x1;
	s10 =	sld [smem:$0x3FB3]  }
0x3d: {  	_ =	shalt  }
0x3e: {  	_ =	shalt  }
0x3f: {  	_ =	shalt  }
0x40: {  	_ =	shalt  }
0x41: {  	_ =	shalt  }
0x42: {  	_ =	shalt  }
0x43: {  	_ =	shalt  }
0x44: {  	_ =	shalt  }
0x45: {  	_ =	shalt  }
0x46: {  	_ =	shalt  }
0x47: {  	_ =	shalt  }
0x48: {  	_ =	shalt  }
0x49: {  	_ =	shalt  }
0x4a: {  	_ =	shalt  }
0x4b: {  	_ =	shalt  }
0x4c: {  	_ =	shalt  }
0x4d: {  	_ =	shalt  }
0x4e: {  	_ =	shalt  }
0x4f: {  	_ =	shalt  }
0x50: {  	_ =	shalt  }
0x51: {  	_ =	shalt  }
0x52: {  	_ =	shalt  }
0x53: {  	_ =	shalt  }
0x54: {  	_ =	shalt  }
0x55: {  	_ =	shalt  }
0x56: {  	_ =	shalt  }
0x57: {  	_ =	shalt  }
0x58: {  	_ =	shalt  }
0x59: {  	_ =	shalt  }
0x5a: {  	_ =	shalt  }
0x5b: {  	_ =	shalt  }
0x5c: {  	_ =	shalt  }
0x5d: {  	_ =	shalt  }
0x5e: {  	_ =	shalt  }
0x5f: {  	_ =	shalt  }
0x60: {  	_ =	shalt  }
0x61: {  	_ =	shalt  }
0x62: {  	_ =	shalt  }
0x63: {  	_ =	shalt  }
0x64: {  	_ =	shalt  }
0x65: {  	_ =	shalt  }
0x66: {  	_ =	shalt  }
0x67: {  	_ =	shalt  }
0x68: {  	_ =	shalt  }
0x69: {  	_ =	shalt  }
0x6a: {  	_ =	shalt  }
0x6b: {  	_ =	shalt  }
0x6c: {  	_ =	shalt  }
0x6d: {  	_ =	shalt  }
0x6e: {  	_ =	shalt  }
0x6f: {  	_ =	shalt  }
0x70: {  	_ =	shalt  }
0x71: {  	_ =	shalt  }
0x72: {  	_ =	shalt  }
0x73: {  	_ =	shalt  }
0x74: {  	_ =	shalt  }
0x75: {  	_ =	shalt  }
0x76: {  	_ =	shalt  }
0x77: {  	_ =	shalt  }
0x78: {  	_ =	shalt  }
0x79: {  	_ =	shalt  }
0x7a: {  	_ =	shalt  }
0x7b: {  	_ =	shalt  }
0x7c: {  	_ =	shalt  }
0x7d: {  	_ =	shalt  }
0x7e: {  	_ =	shalt  }
0x7f: {  	_ =	shalt  }
0x80: {  	_ =	shalt  }
0x81: {  	_ =	shalt  }
0x82: {  	_ =	shalt  }
0x83: {  	_ =	shalt  }
0x84: {  	_ =	shalt  }
0x85: {  	_ =	shalt  }
0x86: {  	_ =	shalt  }
0x87: {  	_ =	shalt  }
.Lfunc_end0:
.L_simem_size_0:
called_computation.3_lowered:
.L_overlay_start_0:
0x88: {  	s2 =	sld [smem:$0x3FD9]  }
0x89: {  	s3 =	sld [smem:$0x3FFE];
	_ =	sdelay $0x1  }
0x8a: {  	s1 =	srdreg.scid  }
0x8b: {  	s0 =	sand.u32 $0x1, s1  }
0x8c: {  	s17 =	sshll.u32 s0, $0xA;
	s2 =	sadd.s32 s3, s2  }
0x8d: {  	s2 =	sadd.s32 s2, s17  }
0x8e: {  	[smem:$0x3FBF] =	sst s2  }
0x8f: {  	_ = 	snop  }
0x90: {  	s18 =	sld [smem:$0x3FC7];
	(tm) =	ssettm $0x1  }
0x91: {  	s19 =	sld [smem:$0x3FFB];
	_ =	sdelay $0x3  }
0x92: {  	_ =	strace s19  }
0x93: {  	s2 =	sld [smem:$0x3FFC];
	_ =	sdelay $0x3  }
0x94: {  	_ =	strace s2  }
0x95: {  	s2 =	sld [smem:$0x3FFD];
	_ =	sdelay $0x3  }
0x96: {  	_ =	strace s2  }
0x97: {  	_ =	strace $0x8FFFFFFF  }
0x98: {  	s20 =	sld [smem:$0x3FDB];
	_ =	sdelay $0x1  }
0x99: {  	s4 =	simm.s32 $_scs_section_size  }
0x9a: {  	s5 =	simm.s32 $_size__tile_overlayer_lowered;
	s6 =	simm.s32 $_tile_overlayer_lowered  }
0x9b: {  	s7 =	simm.s32 $0x1BFF;
	s21 =	sshll.u32 s6, $0x1;
	s4 =	sadd.s32 s4, s20  }
0x9c: {  	s22 =	simm.s32 $0x0;
	s5 =	sshll.u32 s5, $0x1;
	s6 =	sadd.s32 s21, s4  }
0x9d: {  	[timem:s22], [sflag:s7] =	dma.local [hbm:s6], s5  }
0x9e: {  	_ =	swait.ge [sflag:s7], s5  }
0x9f: {  	s5 =	ssub.s32 $0x0, s5;
	[sflag:s7] =	ssyncset.done $0x0  }
0xa0: {  	[sflag:s7] =	ssyncadd.s32 s5;
	_ =	sdelay $0x1  }
0xa1: {  	s23 =	simm.s32 $0x1B8B  }
0xa2: {  	_ =	swait.ge [sflag:s23], $0x1  }
0xa3: {  	[sflag:s23] =	ssyncset.done $0x0  }
0xa4: {  	[sflag:s23] =	ssyncadd.s32 $0xFFFFFFFF  }
0xa5: {  	s5 =	sld [smem:$0x0]  }
0xa6: {  	s6 =	sand.u32 $0xFFFFFFFE, s1  }
0xa7: {  	p0 =	sne.s32 s1, s6  }
0xa8: {  	s6 =	sshll.u32 @p0 s6, $0xE  }
0xa9: {  	s6 =	sadd.s32 @p0 $0x11B8D, s6;
	s7 =	sshll.u32 @p0 s5, $0x11  }
0xaa: {  	s6 =	sor.u32 @p0 s7, s6  }
0xab: {  	[sflag:s6] =	ssyncadd.remote.s32 @p0 $0x1;
	_ =	sdelay $0x1  }
0xac: {  	s6 =	simm.s32 @p0 $0x1B8D  }
0xad: {  	_ =	swait.eq @p0 [sflag:s6], $0x1  }
0xae: {  	[sflag:s6] =	ssyncadd.s32 @p0 $0xFFFFFFFF  }
0xaf: {  	s7 =	sshll.u32 @!p0 s1, $0xE  }
0xb0: {  	s7 =	sor.u32 @!p0 $0x4000, s7;
	s6 =	simm.s32 @!p0 $0x1B8D  }
0xb1: {  	s5 =	sshll.u32 @!p0 s5, $0x11;
	s7 =	sadd.s32 @!p0 $0x11B8D, s7;
	_ =	swait.eq @!p0 [sflag:s6], $0x1  }
0xb2: {  	s5 =	sor.u32 @!p0 s5, s7;
	[sflag:s6] =	ssyncadd.s32 @!p0 $0xFFFFFFFF  }
0xb3: {  	s25 =	simm.s32 $0x1B8E;
	s24 =	sld [smem:$0x3FFE];
	[sflag:s5] =	ssyncadd.remote.s32 @!p0 $0x1  }
0xb4: {  	s26 =	simm.s32 $execute0_lowered;
	[smem:$0x3FD2] =	sst s25  }
0xb5: {  	s6 =	sshll.u32 s26, $0x1;
	_ =	strace $0x8000004F;
	[dreg:$0x1] =	wrdreg $0xFFFFFFFF  }
0xb6: {  	s28 =	simm.s32 $_size_execute0_lowered;
	s4 =	sadd.s32 s4, s6;
	[dreg:$0x0] =	wrdreg $0x0  }
0xb7: {  	s6 =	sshll.u32 s28, $0x1;
	[dreg:$0x2] =	wrdreg s4  }
0xb8: {  	[dreg:$0x3] =	wrdreg s6  }
0xb9: {  	[dreg:$0x4] =	wrdreg $0xC0  }
0xba: {  	_ =	task [dreg:s22], $0x5FFFF  }
0xbb: {  	[dreg:$0x1] =	wrdreg $0xFFFFFFFF  }
0xbc: {  	[dreg:$0x0] =	wrdreg $0x60  }
0xbd: {  	[dreg:$0x2] =	wrdreg s18  }
0xbe: {  	[dreg:$0x3] =	wrdreg s24  }
0xbf: {  	[dreg:$0x4] =	wrdreg $0xC  }
0xc0: {  	_ =	task.clear_ibuf [dreg:s22], $0x5FFFF;
	_ =	strace $0x9000004F  }
0xc1: {  	s29 =	simm.s32 $0xC;
	_ =	strace $0x80000051  }
0xc2: {  	_ =	swait.ge [sflag:s29], $0x1  }
0xc3: {  	[sflag:s29] =	ssyncadd.s32 $0xFFFFFFFF  }
0xc4: {  	_ =	strace $0x90000051  }
0xc5: {  	_ =	sfence  }
0xc6: {  	s30 =	sld [smem:$0x0];
	_ =	sdelay $0x2  }
0xc7: {  	s31 =	sshll.u32 s1, $0xD;
	s1 =	sshrl.u32 s1, $0x2  }
0xc8: {  	s4 =	sand.u32 $0x4000, s31;
	s1 =	sadd.s32 s1, s30  }
0xc9: {  	s0 =	sor.u32 s4, s0;
	s1 =	sshll.u32 s1, $0x11  }
0xca: {  	s0 =	sor.u32 s1, s0  }
0xcb: {  	s0 =	sadd.s32 $0x8F2B, s0  }
0xcc: {  	[sflag:s0] =	ssyncadd.remote.s32 $0x1  }
0xcd: {  	_ =	sfence.sel $0xFFFF  }
0xce: {  	[dreg:$0x0] =	wrdreg $0xFFFFFFFF;
	(pc) =	sbr.abs _section_cstart, $3  }
0xcf: {  	[dreg:$0x1] =	wrdreg $0xFFFFFFFF  }
0xd0: {  	_ =	task.clear_ibuf [dreg:s22], $0x2FFFF;
	_ =	strace $0x9FFFFFFF  }
0xd1: {  	(tm) =	ssettm $0x7FFFFFFF  }
tec
execute0_lowered:
.L_overlay_start_1:
0x0: {  	(tag) =	ssettag $0x1  }
0x1: {  	s2 =	rddreg [dreg:$0x0];
	s1 =	srdreg.scid  }
0x2: {  	s0 =	stileid.u32;
	s4 =	rddreg [dreg:$0x1];
	s3 =	simm.s32 $0x0  }
0x3: {  	s10 =	simm.s32 $0x1;
	s11 =	simm.s32 $0x0;
	s6 =	smul.u32 $0xFA0, s0  }
0x4: {  	s5 =	sand.u32 $0x1, s1;
	s1 =	rddreg [dreg:$0x2];
	s8 =	smul.u32 $0xFA00, s0  }
0x5: {  	[smem:$0x7FF] =	sst s3;
	s7 =	smul.u32 $0x7D0, s5;
	s9 =	ssub.s32 $0x2, s5  }
0x6: {  	_ =	strace $0x80000050;
	s5 =	smul.u32 $0x7D00, s5;
	s31 =	sshrl.u32 s9, $0x1  }
0x7: {  	s30 =	sadd.s32 s8, s4;
	s6 =	sadd.s32 s7, s6;
	s8 =	ssub.s32 s9, s31  }
0x8: {  	s5 =	sadd.s32 s5, s30;
	s7 =	simm.s32 $0x2;
	s6 =	sshrl.u32 s6, $0x3  }
0x9: {  	s9 =	simm.s32 $0x80;
	s5 =	sadd.s32 $0x2F9000, s5;
	s6 =	sadd.s32 s6, s4  }
0xa: {  	s4 =	smax.u32 s8, $0x1;
	s8 =	simm.s32 $0x50;
	s6 =	sadd.s32 $0x7000, s6  }
.LBB2_1:
0xb: {  	s12 =	sadd.s32 $0x0, s6  }
0xc: {  	[tilespmem:s3], [sflag:$0x2] =	stream.linear.gather [hbm4b:s12+s3], $0x50, $0x38;
	[tilespmem:$0x2880] =	vst v63  }
0xd: {  	_ =	swait.ge [sflag:s7], $0x50  }
0xe: {  	[sflag:s7] =	ssyncset.done $0x0  }
0xf: {  	[sflag:s7] =	ssyncadd.s32 $0xFFFFFFB0  }
0x10: {  	[tilespmem:s9], [sflag:$0x1] =	stream.indirect.gather [hbm4b:s2+s8], $0x80, s3, s8, $0xb8;
	[tilespmem:$0x2880] =	vst v63  }
0x11: {  	_ =	swait.ge [sflag:s10], $0x2800  }
0x12: {  	[sflag:s10] =	ssyncset.done $0x0  }
0x13: {  	[sflag:s10] =	ssyncadd.s32 $0xFFFFD800  }
0x14: {  	[hbm4b:s5+s3] =	stream.linear.scatter [tilespmem:s9], [sflag:$0x2], $0x2800, $0x38;
	[tilespmem:$0x2880] =	vst v63  }
0x15: {  	s13 =	simm.s32 $0xA;
	_ =	swait.ge [sflag:s7], $0x2800  }
0x16: {  	s14 =	simm.s32 $0x14;
	s12 =	sadd.s32 $0x500, s5;
	[sflag:s7] =	ssyncset.done $0x0  }
.LBB2_2:
0x17: {  	s15 =	sadd.s32 s13, s6  }
0x18: {  	[sflag:s7] =	ssyncadd.s32 $0xFFFFD800;
	s13 =	smov.u32 s14;
	s16 =	sadd.s32 $0xA, s14  }
0x19: {  	[tilespmem:s3], [sflag:$0x2] =	stream.linear.gather [hbm4b:s15+s3], $0x50, $0x38;
	[tilespmem:$0x2880] =	vst v63  }
0x1a: {  	p0 =	sne.s32 s14, $0xF0;
	_ =	swait.ge [sflag:s7], $0x50  }
0x1b: {  	[sflag:s7] =	ssyncset.done $0x0  }
0x1c: {  	[sflag:s7] =	ssyncadd.s32 $0xFFFFFFB0  }
0x1d: {  	[tilespmem:s9], [sflag:$0x1] =	stream.indirect.gather [hbm4b:s2+s8], $0x80, s3, s8, $0xb8;
	[tilespmem:$0x2880] =	vst v63  }
0x1e: {  	_ =	swait.ge [sflag:s10], $0x2800  }
.Ltmp0:
0x1f: {  	[sflag:s10] =	ssyncset.done $0x0;
	(pc) =	sbr.rel @p0 .LBB2_2-.Ltmp0, $4  }
0x20: {  	[sflag:s10] =	ssyncadd.s32 $0xFFFFD800  }
0x21: {  	[hbm4b:s12+s3] =	stream.linear.scatter [tilespmem:s9], [sflag:$0x2], $0x2800, $0x38;
	[tilespmem:$0x2880] =	vst v63  }
0x22: {  	_ =	swait.ge [sflag:s7], $0x2800  }
0x23: {  	s14 =	smov.u32 s16;
	s12 =	sadd.s32 $0x500, s12;
	[sflag:s7] =	ssyncset.done $0x0  }
0x24: {  	s13 =	sadd.s32 s13, s6;
	[sflag:s7] =	ssyncadd.s32 $0xFFFFD800  }
0x25: {  	[tilespmem:s3], [sflag:$0x2] =	stream.linear.gather [hbm4b:s13+s3], $0x50, $0x38;
	[tilespmem:$0x2880] =	vst v63  }
0x26: {  	_ =	swait.ge [sflag:s7], $0x50  }
0x27: {  	[sflag:s7] =	ssyncset.done $0x0  }
0x28: {  	[sflag:s7] =	ssyncadd.s32 $0xFFFFFFB0  }
0x29: {  	[tilespmem:s9], [sflag:$0x1] =	stream.indirect.gather [hbm4b:s2+s8], $0x80, s3, s8, $0xb8;
	[tilespmem:$0x2880] =	vst v63  }
0x2a: {  	s11 =	sadd.s32 $0x1, s11;
	_ =	swait.ge [sflag:s10], $0x2800  }
0x2b: {  	p0 =	sne.s32 s11, s4;
	[sflag:s10] =	ssyncset.done $0x0  }
.Ltmp1:
0x2c: {  	[sflag:s10] =	ssyncadd.s32 $0xFFFFD800;
	(pc) =	sbr.rel @p0 .LBB2_1-.Ltmp1, $4  }
0x2d: {  	[hbm4b:s12+s3] =	stream.linear.scatter [tilespmem:s9], [sflag:$0x2], $0x2800, $0x38;
	[tilespmem:$0x2880] =	vst v63  }
0x2e: {  	_ =	swait.ge [sflag:s7], $0x2800  }
0x2f: {  	[sflag:s7] =	ssyncset.done $0x0  }
0x30: {  	[sflag:s7] =	ssyncadd.s32 $0xFFFFD800  }
0x31: {  	_ =	sfence.sel $0x180000  }
0x32: {  	[bflag:$0x0] =	sbarrier.arrive $0xFFFF  }
0x33: {  	p0 =	sne.s32 s0, $0x0;
	_ =	strace $0x90000050  }
0x34: {  	s0 =	sadd.s32 @!p0 $0x100000, s1;
	[bflag:$0x2] =	sbarrier.arrive $0xFFFF  }
0x35: {  	[sflag:s0] =	ssyncadd.tile.s32 @!p0 $0x1;
	_ =	shalt  }
.Lfunc_end2:
_tile_overlayer_lowered:
.L_overlay_start_2:
0x36: {  	(tag) =	ssettag $0x2  }
0x37: {  	s0 =	rddreg [dreg:$0x0];
	s2 =	stileid.u32  }
0x38: {  	s1 =	rddreg [dreg:$0x1];
	p0 =	sne.s32 s2, $0x0  }
0x39: {  	s3 =	rddreg [dreg:$0x2];
	[bflag:$0x3] =	sbarrier.arrive $0xFFFF;
	s2 =	simm.s32 @!p0 $0x1C02  }
0x3a: {  	[timem:s3], [sflag:s2] =	dma.local @!p0 [hbm:s0], s1  }
0x3b: {  	s0 =	simm.s32 @!p0 $0x2  }
0x3c: {  	_ =	swait.ge @!p0 [sflag:s0], s1  }
0x3d: {  	s1 =	ssub.s32 @!p0 $0x0, s1;
	[sflag:s0] =	ssyncset.done @!p0 $0x0  }
0x3e: {  	[sflag:s0] =	ssyncadd.s32 @!p0 s1  }
0x3f: {  	[bflag:$0x3] =	sbarrier.arrive $0xFFFF  }
0x40: {  	_ =	shalt  }

// kernel: kernel.24.cloned.1.call-start
scs
__scs_entry_jumppad:
0x0: {  	(pc) =	sbr.rel $0x88, $3  }
0x1: {  	(tag) =	ssettag $0x0;
	lr =	simm.s32 $0x1  }
0x2: {  	[smem:$0x3F98] =	sst lr;
	_ =	strace $0xD0000000  }
0x3: {  	_ = 	snop  }
0x4: {  	_ = 	snop  }
0x5: {  	_ = 	snop  }
0x6: {  	_ = 	snop  }
0x7: {  	_ = 	snop  }
__scs_overlays_trampoline_lowered:
0x8: {  	[smem:$0x3FA7] =	sst s0  }
0x9: {  	[smem:$0x3FA8] =	sst s1  }
0xa: {  	[smem:$0x3FA9] =	sst s2  }
0xb: {  	[smem:$0x3FAA] =	sst s3  }
0xc: {  	[smem:$0x3FAB] =	sst s4  }
0xd: {  	[smem:$0x3FAC] =	sst s5  }
0xe: {  	[smem:$0x3FAD] =	sst s6  }
0xf: {  	[smem:$0x3FAE] =	sst s7  }
0x10: {  	[smem:$0x3FAF] =	sst s8  }
0x11: {  	[smem:$0x3FB0] =	sst s9;
	s0 =	simm.s32 @!p0 $0x0  }
0x12: {  	s1 =	sld [smem:$0x3F96];
	s0 =	simm.s32 @p0 $0x1  }
0x13: {  	[smem:$0x3FB1] =	sst s0;
	s0 =	simm.s32 @!p1 $0x0  }
0x14: {  	s2 =	sld [smem:$0x3F95];
	s0 =	simm.s32 @p1 $0x1  }
0x15: {  	[smem:$0x3FB2] =	sst s0;
	s0 =	simm.s32 @!p2 $0x0  }
0x16: {  	s3 =	sld [smem:$0x3FDB];
	s0 =	simm.s32 @p2 $0x1  }
0x17: {  	s4 =	simm.s32 $0x1BF5;
	[smem:$0x3FB4] =	sst s0  }
0x18: {  	s0 =	sld [smem:$0x3F97];
	_ =	swait.ge [sflag:s4], $0x0  }
0x19: {  	s7 =	sld [smem:$0x3F98]  }
0x1a: {  	s8 =	sadd.s32 $0xFFFFE003, lr  }
0x1b: {  	s9 =	sadd.s32 $0xFFFFFEF7, lr;
	s5 =	simm.s32 $0xFFFFFFFF;
	p2 =	slt.u32 s8, $0xFFFFF086  }
0x1c: {  	p1 =	slt.u32 s9, $0xF7A;
	s5 =	simm.s32 @!p2 $0x0  }
0x1d: {  	s5 =	simm.s32 @p1 $0x1;
	p0 =	seq.s32 s7, s2  }
0x1e: {  	s7 =	smul.u32 @!p0 $0xF7A, s2;
	p2 =	seq.s32 @!p0 s5, $0x0  }
0x1f: {  	s9 =	smul.u32 $0xF7A, s1;
	s8 =	simm.s32 @!p0 $0x1BF5;
	p2 =	por !p2, p0  }
0x20: {  	[sflag:s8] =	ssyncset.s32 @!p0 $0xFFFFF086;
	s6 =	sadd.s32 @!p0 s3, s7;
	s7 =	simm.s32 @!p0 $0x108  }
0x21: {  	s3 =	sadd.s32 s3, s9;
	s6 =	sadd.s32 @!p0 $0x88, s6;
	s7 =	simm.s32 @p2 $0x1082  }
0x22: {  	[simem:s7], [sflag:s8] =	dma.local @!p0 [hbm:s6], $0xF7A  }
0x23: {  	s9 =	sor.u32 $0xD0000000, s2;
	s6 =	simm.s32 $0x108;
	_ =	swait.ge @!p0 [sflag:s8], $0x0  }
0x24: {  	s3 =	sadd.s32 $0x88, s3;
	s6 =	simm.s32 @!p1 $0x1082;
	[sflag:s4] =	ssyncset.s32 $0xFFFFF086  }
0x25: {  	[simem:s6], [sflag:s4] =	dma.local [hbm:s3], $0xF7A  }
0x26: {  	[smem:$0x3F98] =	sst s1;
	(tag) =	ssettag s2;
	_ =	strace s9  }
0x27: {  	s1 =	sld [smem:$0x3FA8]  }
0x28: {  	s2 =	sld [smem:$0x3FA9]  }
0x29: {  	s4 =	sld [smem:$0x3FAB]  }
0x2a: {  	p0 =	seq.s32 s5, $0x0;
	s5 =	sld [smem:$0x3FAC]  }
0x2b: {  	s6 =	sld [smem:$0x3FAD]  }
0x2c: {  	s7 =	sld [smem:$0x3FAE]  }
0x2d: {  	s3 =	simm.s32 $0x108;
	s8 =	sld [smem:$0x3FAF]  }
0x2e: {  	s3 =	simm.s32 @!p0 $0x1082;
	s9 =	sld [smem:$0x3FB0]  }
0x2f: {  	lr =	sadd.s32 s0, s3;
	s0 =	sld [smem:$0x3FA7]  }
0x30: {  	s3 =	sld [smem:$0x3FAA]  }
0x31: {  	[smem:$0x3FB3] =	sst s10  }
0x32: {  	s10 =	sld [smem:$0x3FB1];
	_ =	sdelay $0x3  }
0x33: {  	p0 =	seq.s32 s10, $0x1;
	s10 =	sld [smem:$0x3FB3];
	_ =	sdelay $0x3  }
0x34: {  	[smem:$0x3FB3] =	sst s10  }
0x35: {  	s10 =	sld [smem:$0x3FB2];
	_ =	sdelay $0x3  }
0x36: {  	p1 =	seq.s32 s10, $0x1;
	s10 =	sld [smem:$0x3FB3];
	_ =	sdelay $0x3  }
0x37: {  	[smem:$0x3FB3] =	sst s10  }
0x38: {  	s10 =	sld [smem:$0x3FB4]  }
0x39: {  	_ = 	snop;
	(pc) =	sbr.ind lr, $3  }
0x3a: {  	_ = 	snop  }
0x3b: {  	_ = 	snop  }
0x3c: {  	p2 =	seq.s32 s10, $0x1;
	s10 =	sld [smem:$0x3FB3]  }
0x3d: {  	_ =	shalt  }
0x3e: {  	_ =	shalt  }
0x3f: {  	_ =	shalt  }
0x40: {  	_ =	shalt  }
0x41: {  	_ =	shalt  }
0x42: {  	_ =	shalt  }
0x43: {  	_ =	shalt  }
0x44: {  	_ =	shalt  }
0x45: {  	_ =	shalt  }
0x46: {  	_ =	shalt  }
0x47: {  	_ =	shalt  }
0x48: {  	_ =	shalt  }
0x49: {  	_ =	shalt  }
0x4a: {  	_ =	shalt  }
0x4b: {  	_ =	shalt  }
0x4c: {  	_ =	shalt  }
0x4d: {  	_ =	shalt  }
0x4e: {  	_ =	shalt  }
0x4f: {  	_ =	shalt  }
0x50: {  	_ =	shalt  }
0x51: {  	_ =	shalt  }
0x52: {  	_ =	shalt  }
0x53: {  	_ =	shalt  }
0x54: {  	_ =	shalt  }
0x55: {  	_ =	shalt  }
0x56: {  	_ =	shalt  }
0x57: {  	_ =	shalt  }
0x58: {  	_ =	shalt  }
0x59: {  	_ =	shalt  }
0x5a: {  	_ =	shalt  }
0x5b: {  	_ =	shalt  }
0x5c: {  	_ =	shalt  }
0x5d: {  	_ =	shalt  }
0x5e: {  	_ =	shalt  }
0x5f: {  	_ =	shalt  }
0x60: {  	_ =	shalt  }
0x61: {  	_ =	shalt  }
0x62: {  	_ =	shalt  }
0x63: {  	_ =	shalt  }
0x64: {  	_ =	shalt  }
0x65: {  	_ =	shalt  }
0x66: {  	_ =	shalt  }
0x67: {  	_ =	shalt  }
0x68: {  	_ =	shalt  }
0x69: {  	_ =	shalt  }
0x6a: {  	_ =	shalt  }
0x6b: {  	_ =	shalt  }
0x6c: {  	_ =	shalt  }
0x6d: {  	_ =	shalt  }
0x6e: {  	_ =	shalt  }
0x6f: {  	_ =	shalt  }
0x70: {  	_ =	shalt  }
0x71: {  	_ =	shalt  }
0x72: {  	_ =	shalt  }
0x73: {  	_ =	shalt  }
0x74: {  	_ =	shalt  }
0x75: {  	_ =	shalt  }
0x76: {  	_ =	shalt  }
0x77: {  	_ =	shalt  }
0x78: {  	_ =	shalt  }
0x79: {  	_ =	shalt  }
0x7a: {  	_ =	shalt  }
0x7b: {  	_ =	shalt  }
0x7c: {  	_ =	shalt  }
0x7d: {  	_ =	shalt  }
0x7e: {  	_ =	shalt  }
0x7f: {  	_ =	shalt  }
0x80: {  	_ =	shalt  }
0x81: {  	_ =	shalt  }
0x82: {  	_ =	shalt  }
0x83: {  	_ =	shalt  }
0x84: {  	_ =	shalt  }
0x85: {  	_ =	shalt  }
0x86: {  	_ =	shalt  }
0x87: {  	_ =	shalt  }
.Lfunc_end0:
.L_simem_size_0:
called_computation.4_lowered:
.L_overlay_start_0:
0x88: {  	s2 =	sld [smem:$0x3FD9]  }
0x89: {  	s3 =	sld [smem:$0x3FFE];
	_ =	sdelay $0x1  }
0x8a: {  	s1 =	srdreg.scid  }
0x8b: {  	s0 =	sand.u32 $0x1, s1  }
0x8c: {  	s17 =	sshll.u32 s0, $0xA;
	s2 =	sadd.s32 s3, s2  }
0x8d: {  	s2 =	sadd.s32 s2, s17  }
0x8e: {  	[smem:$0x3FBF] =	sst s2  }
0x8f: {  	_ = 	snop  }
0x90: {  	s18 =	sld [smem:$0x3FC7];
	(tm) =	ssettm $0x1  }
0x91: {  	s19 =	sld [smem:$0x3FFB];
	_ =	sdelay $0x3  }
0x92: {  	_ =	strace s19  }
0x93: {  	s2 =	sld [smem:$0x3FFC];
	_ =	sdelay $0x3  }
0x94: {  	_ =	strace s2  }
0x95: {  	s2 =	sld [smem:$0x3FFD];
	_ =	sdelay $0x3  }
0x96: {  	_ =	strace s2  }
0x97: {  	_ =	strace $0x8FFFFFFF  }
0x98: {  	s20 =	sld [smem:$0x3FDB];
	_ =	sdelay $0x1  }
0x99: {  	s4 =	simm.s32 $_scs_section_size  }
0x9a: {  	s5 =	simm.s32 $_size__tile_overlayer_lowered;
	s6 =	simm.s32 $_tile_overlayer_lowered  }
0x9b: {  	s7 =	simm.s32 $0x1BFF;
	s21 =	sshll.u32 s6, $0x1;
	s4 =	sadd.s32 s4, s20  }
0x9c: {  	s22 =	simm.s32 $0x0;
	s5 =	sshll.u32 s5, $0x1;
	s6 =	sadd.s32 s21, s4  }
0x9d: {  	[timem:s22], [sflag:s7] =	dma.local [hbm:s6], s5  }
0x9e: {  	_ =	swait.ge [sflag:s7], s5  }
0x9f: {  	s5 =	ssub.s32 $0x0, s5;
	[sflag:s7] =	ssyncset.done $0x0  }
0xa0: {  	[sflag:s7] =	ssyncadd.s32 s5;
	_ =	sdelay $0x1  }
0xa1: {  	s23 =	simm.s32 $0x1B8B  }
0xa2: {  	_ =	swait.ge [sflag:s23], $0x1  }
0xa3: {  	[sflag:s23] =	ssyncset.done $0x0  }
0xa4: {  	[sflag:s23] =	ssyncadd.s32 $0xFFFFFFFF  }
0xa5: {  	s5 =	sld [smem:$0x0]  }
0xa6: {  	s6 =	sand.u32 $0xFFFFFFFE, s1  }
0xa7: {  	p0 =	sne.s32 s1, s6  }
0xa8: {  	s6 =	sshll.u32 @p0 s6, $0xE  }
0xa9: {  	s6 =	sadd.s32 @p0 $0x11B8D, s6;
	s7 =	sshll.u32 @p0 s5, $0x11  }
0xaa: {  	s6 =	sor.u32 @p0 s7, s6  }
0xab: {  	[sflag:s6] =	ssyncadd.remote.s32 @p0 $0x1;
	_ =	sdelay $0x1  }
0xac: {  	s6 =	simm.s32 @p0 $0x1B8D  }
0xad: {  	_ =	swait.eq @p0 [sflag:s6], $0x1  }
0xae: {  	[sflag:s6] =	ssyncadd.s32 @p0 $0xFFFFFFFF  }
0xaf: {  	s7 =	sshll.u32 @!p0 s1, $0xE  }
0xb0: {  	s7 =	sor.u32 @!p0 $0x4000, s7;
	s6 =	simm.s32 @!p0 $0x1B8D  }
0xb1: {  	s5 =	sshll.u32 @!p0 s5, $0x11;
	s7 =	sadd.s32 @!p0 $0x11B8D, s7;
	_ =	swait.eq @!p0 [sflag:s6], $0x1  }
0xb2: {  	s5 =	sor.u32 @!p0 s5, s7;
	[sflag:s6] =	ssyncadd.s32 @!p0 $0xFFFFFFFF  }
0xb3: {  	s25 =	simm.s32 $0x1B8E;
	s24 =	sld [smem:$0x3FFE];
	[sflag:s5] =	ssyncadd.remote.s32 @!p0 $0x1  }
0xb4: {  	s26 =	simm.s32 $execute0_lowered;
	[smem:$0x3FD2] =	sst s25  }
0xb5: {  	s6 =	sshll.u32 s26, $0x1;
	_ =	strace $0x80000052;
	[dreg:$0x1] =	wrdreg $0xFFFFFFFF  }
0xb6: {  	s28 =	simm.s32 $_size_execute0_lowered;
	s4 =	sadd.s32 s4, s6;
	[dreg:$0x0] =	wrdreg $0x0  }
0xb7: {  	s6 =	sshll.u32 s28, $0x1;
	[dreg:$0x2] =	wrdreg s4  }
0xb8: {  	[dreg:$0x3] =	wrdreg s6  }
0xb9: {  	[dreg:$0x4] =	wrdreg $0xC0  }
0xba: {  	_ =	task [dreg:s22], $0x5FFFF  }
0xbb: {  	[dreg:$0x1] =	wrdreg $0xFFFFFFFF  }
0xbc: {  	[dreg:$0x0] =	wrdreg $0x60  }
0xbd: {  	[dreg:$0x2] =	wrdreg s18  }
0xbe: {  	[dreg:$0x3] =	wrdreg s24  }
0xbf: {  	[dreg:$0x4] =	wrdreg $0xD  }
0xc0: {  	_ =	task.clear_ibuf [dreg:s22], $0x5FFFF;
	_ =	strace $0x90000052  }
0xc1: {  	s29 =	simm.s32 $0xD;
	_ =	strace $0x80000054  }
0xc2: {  	_ =	swait.ge [sflag:s29], $0x1  }
0xc3: {  	[sflag:s29] =	ssyncadd.s32 $0xFFFFFFFF  }
0xc4: {  	_ =	strace $0x90000054  }
0xc5: {  	_ =	sfence  }
0xc6: {  	s30 =	sld [smem:$0x0];
	_ =	sdelay $0x2  }
0xc7: {  	s31 =	sshll.u32 s1, $0xD;
	s1 =	sshrl.u32 s1, $0x2  }
0xc8: {  	s4 =	sand.u32 $0x4000, s31;
	s1 =	sadd.s32 s1, s30  }
0xc9: {  	s0 =	sor.u32 s4, s0;
	s1 =	sshll.u32 s1, $0x11  }
0xca: {  	s0 =	sor.u32 s1, s0  }
0xcb: {  	s0 =	sadd.s32 $0x8F2B, s0  }
0xcc: {  	[sflag:s0] =	ssyncadd.remote.s32 $0x1  }
0xcd: {  	_ =	sfence.sel $0xFFFF  }
0xce: {  	[dreg:$0x0] =	wrdreg $0xFFFFFFFF;
	(pc) =	sbr.abs _section_cstart, $3  }
0xcf: {  	[dreg:$0x1] =	wrdreg $0xFFFFFFFF  }
0xd0: {  	_ =	task.clear_ibuf [dreg:s22], $0x2FFFF;
	_ =	strace $0x9FFFFFFF  }
0xd1: {  	(tm) =	ssettm $0x7FFFFFFF  }
tec
execute0_lowered:
.L_overlay_start_1:
0x0: {  	(tag) =	ssettag $0x1  }
0x1: {  	s2 =	rddreg [dreg:$0x0];
	s1 =	srdreg.scid  }
0x2: {  	s0 =	stileid.u32;
	s4 =	rddreg [dreg:$0x1];
	s3 =	simm.s32 $0x0  }
0x3: {  	s10 =	simm.s32 $0x1;
	s11 =	simm.s32 $0x0;
	s6 =	smul.u32 $0xFA0, s0  }
0x4: {  	s5 =	sand.u32 $0x1, s1;
	s1 =	rddreg [dreg:$0x2];
	s8 =	smul.u32 $0xFA00, s0  }
0x5: {  	[smem:$0x7FF] =	sst s3;
	s7 =	smul.u32 $0x7D0, s5;
	s9 =	ssub.s32 $0x2, s5  }
0x6: {  	_ =	strace $0x80000053;
	s5 =	smul.u32 $0x7D00, s5;
	s31 =	sshrl.u32 s9, $0x1  }
0x7: {  	s30 =	sadd.s32 s8, s4;
	s6 =	sadd.s32 s7, s6;
	s8 =	ssub.s32 s9, s31  }
0x8: {  	s5 =	sadd.s32 s5, s30;
	s7 =	simm.s32 $0x2;
	s6 =	sshrl.u32 s6, $0x3  }
0x9: {  	s9 =	simm.s32 $0x80;
	s5 =	sadd.s32 $0x3F3000, s5;
	s6 =	sadd.s32 s6, s4  }
0xa: {  	s4 =	smax.u32 s8, $0x1;
	s8 =	simm.s32 $0x50;
	s6 =	sadd.s32 $0x9000, s6  }
.LBB2_1:
0xb: {  	s12 =	sadd.s32 $0x0, s6  }
0xc: {  	[tilespmem:s3], [sflag:$0x2] =	stream.linear.gather [hbm4b:s12+s3], $0x50, $0x38;
	[tilespmem:$0x2880] =	vst v63  }
0xd: {  	_ =	swait.ge [sflag:s7], $0x50  }
0xe: {  	[sflag:s7] =	ssyncset.done $0x0  }
0xf: {  	[sflag:s7] =	ssyncadd.s32 $0xFFFFFFB0  }
0x10: {  	[tilespmem:s9], [sflag:$0x1] =	stream.indirect.gather [hbm4b:s2+s8], $0x80, s3, s8, $0xb8;
	[tilespmem:$0x2880] =	vst v63  }
0x11: {  	_ =	swait.ge [sflag:s10], $0x2800  }
0x12: {  	[sflag:s10] =	ssyncset.done $0x0  }
0x13: {  	[sflag:s10] =	ssyncadd.s32 $0xFFFFD800  }
0x14: {  	[hbm4b:s5+s3] =	stream.linear.scatter [tilespmem:s9], [sflag:$0x2], $0x2800, $0x38;
	[tilespmem:$0x2880] =	vst v63  }
0x15: {  	s13 =	simm.s32 $0xA;
	_ =	swait.ge [sflag:s7], $0x2800  }
0x16: {  	s14 =	simm.s32 $0x14;
	s12 =	sadd.s32 $0x500, s5;
	[sflag:s7] =	ssyncset.done $0x0  }
.LBB2_2:
0x17: {  	s15 =	sadd.s32 s13, s6  }
0x18: {  	[sflag:s7] =	ssyncadd.s32 $0xFFFFD800;
	s13 =	smov.u32 s14;
	s16 =	sadd.s32 $0xA, s14  }
0x19: {  	[tilespmem:s3], [sflag:$0x2] =	stream.linear.gather [hbm4b:s15+s3], $0x50, $0x38;
	[tilespmem:$0x2880] =	vst v63  }
0x1a: {  	p0 =	sne.s32 s14, $0xF0;
	_ =	swait.ge [sflag:s7], $0x50  }
0x1b: {  	[sflag:s7] =	ssyncset.done $0x0  }
0x1c: {  	[sflag:s7] =	ssyncadd.s32 $0xFFFFFFB0  }
0x1d: {  	[tilespmem:s9], [sflag:$0x1] =	stream.indirect.gather [hbm4b:s2+s8], $0x80, s3, s8, $0xb8;
	[tilespmem:$0x2880] =	vst v63  }
0x1e: {  	_ =	swait.ge [sflag:s10], $0x2800  }
.Ltmp0:
0x1f: {  	[sflag:s10] =	ssyncset.done $0x0;
	(pc) =	sbr.rel @p0 .LBB2_2-.Ltmp0, $4  }
0x20: {  	[sflag:s10] =	ssyncadd.s32 $0xFFFFD800  }
0x21: {  	[hbm4b:s12+s3] =	stream.linear.scatter [tilespmem:s9], [sflag:$0x2], $0x2800, $0x38;
	[tilespmem:$0x2880] =	vst v63  }
0x22: {  	_ =	swait.ge [sflag:s7], $0x2800  }
0x23: {  	s14 =	smov.u32 s16;
	s12 =	sadd.s32 $0x500, s12;
	[sflag:s7] =	ssyncset.done $0x0  }
0x24: {  	s13 =	sadd.s32 s13, s6;
	[sflag:s7] =	ssyncadd.s32 $0xFFFFD800  }
0x25: {  	[tilespmem:s3], [sflag:$0x2] =	stream.linear.gather [hbm4b:s13+s3], $0x50, $0x38;
	[tilespmem:$0x2880] =	vst v63  }
0x26: {  	_ =	swait.ge [sflag:s7], $0x50  }
0x27: {  	[sflag:s7] =	ssyncset.done $0x0  }
0x28: {  	[sflag:s7] =	ssyncadd.s32 $0xFFFFFFB0  }
0x29: {  	[tilespmem:s9], [sflag:$0x1] =	stream.indirect.gather [hbm4b:s2+s8], $0x80, s3, s8, $0xb8;
	[tilespmem:$0x2880] =	vst v63  }
0x2a: {  	s11 =	sadd.s32 $0x1, s11;
	_ =	swait.ge [sflag:s10], $0x2800  }
0x2b: {  	p0 =	sne.s32 s11, s4;
	[sflag:s10] =	ssyncset.done $0x0  }
.Ltmp1:
0x2c: {  	[sflag:s10] =	ssyncadd.s32 $0xFFFFD800;
	(pc) =	sbr.rel @p0 .LBB2_1-.Ltmp1, $4  }
0x2d: {  	[hbm4b:s12+s3] =	stream.linear.scatter [tilespmem:s9], [sflag:$0x2], $0x2800, $0x38;
	[tilespmem:$0x2880] =	vst v63  }
0x2e: {  	_ =	swait.ge [sflag:s7], $0x2800  }
0x2f: {  	[sflag:s7] =	ssyncset.done $0x0  }
0x30: {  	[sflag:s7] =	ssyncadd.s32 $0xFFFFD800  }
0x31: {  	_ =	sfence.sel $0x180000  }
0x32: {  	[bflag:$0x0] =	sbarrier.arrive $0xFFFF  }
0x33: {  	p0 =	sne.s32 s0, $0x0;
	_ =	strace $0x90000053  }
0x34: {  	s0 =	sadd.s32 @!p0 $0x100000, s1;
	[bflag:$0x2] =	sbarrier.arrive $0xFFFF  }
0x35: {  	[sflag:s0] =	ssyncadd.tile.s32 @!p0 $0x1;
	_ =	shalt  }
.Lfunc_end2:
_tile_overlayer_lowered:
.L_overlay_start_2:
0x36: {  	(tag) =	ssettag $0x2  }
0x37: {  	s0 =	rddreg [dreg:$0x0];
	s2 =	stileid.u32  }
0x38: {  	s1 =	rddreg [dreg:$0x1];
	p0 =	sne.s32 s2, $0x0  }
0x39: {  	s3 =	rddreg [dreg:$0x2];
	[bflag:$0x3] =	sbarrier.arrive $0xFFFF;
	s2 =	simm.s32 @!p0 $0x1C02  }
0x3a: {  	[timem:s3], [sflag:s2] =	dma.local @!p0 [hbm:s0], s1  }
0x3b: {  	s0 =	simm.s32 @!p0 $0x2  }
0x3c: {  	_ =	swait.ge @!p0 [sflag:s0], s1  }
0x3d: {  	s1 =	ssub.s32 @!p0 $0x0, s1;
	[sflag:s0] =	ssyncset.done @!p0 $0x0  }
0x3e: {  	[sflag:s0] =	ssyncadd.s32 @!p0 s1  }
0x3f: {  	[bflag:$0x3] =	sbarrier.arrive $0xFFFF  }
0x40: {  	_ =	shalt  }

</sc_bundles>
